<compile_context>
chip_gen: v7x
topology: tpu7x:2x2x1
jax: 0.10.2.dev20260603
libtpu: 0.0.44.dev20260713+nightly
codegen_flags: <defaults>
</compile_context>

<pallas_src>
import jax
import jax.numpy as jnp
from jax import lax
from jax.experimental import pallas as pl
from jax.experimental.pallas import tpu as pltpu
from jax.experimental.pallas import tpu_sc as plsc

R = 100000
S = 128
L = 16
NC = 2
NS = 16
NW = NC * NS
CHUNK = 48
NCHUNKS = (R + CHUNK - 1) // CHUNK
MAX_ITERS = (NCHUNKS + NW - 1) // NW
OUTER = (MAX_ITERS + 1) // 2
CELEMS = CHUNK * S
VPR = S // L
GROUPS = CHUNK // L


def _occupancy_body(op_hbm, deltas_hbm, leaves_hbm, out_hbm,
                    table_v, iv0, iv1, dv0, dv1, ov0, ov1,
                    sl0, sl1, sd0, sd1, so0, so1):
    wid = lax.axis_index("s") * NC + lax.axis_index("c")

    pltpu.sync_copy(op_hbm, table_v)

    lane = lax.iota(jnp.int32, L)
    bfly = [jnp.bitwise_xor(lane, d) for d in (8, 4, 2, 1)]
    ivs, dvs, ovs = (iv0, iv1), (dv0, dv1), (ov0, ov1)
    sls, sds, sos = (sl0, sl1), (sd0, sd1), (so0, so1)

    def issue(c, b):
        base = jnp.minimum(c * CHUNK, R - CHUNK)
        pltpu.async_copy(leaves_hbm.at[pl.ds(base * S, CELEMS)], ivs[b], sls[b])
        pltpu.async_copy(deltas_hbm.at[pl.ds(base * S, CELEMS)], dvs[b], sds[b])

    def drain_in(b):
        pltpu.make_async_copy(leaves_hbm.at[pl.ds(0, CELEMS)], ivs[b], sls[b]).wait()
        pltpu.make_async_copy(deltas_hbm.at[pl.ds(0, CELEMS)], dvs[b], sds[b]).wait()

    def drain_out(b):
        pltpu.make_async_copy(ovs[b], out_hbm.at[pl.ds(0, CHUNK)], sos[b]).wait()

    def compute(c, b):
        iv, dv, ov = ivs[b], dvs[b], ovs[b]

        def group_body(g, _):
            def j_body(j4, sums):
                for j1 in range(2):
                    j = j4 * 2 + j1
                    roff = (g * L + j) * S
                    terms = []
                    for k in range(VPR):
                        idx = iv[pl.ds(roff + k * L, L)]
                        op = plsc.load_gather(table_v, [idx])
                        terms.append(op * dv[pl.ds(roff + k * L, L)])
                    while len(terms) > 1:
                        terms = [a + b for a, b in zip(terms[::2], terms[1::2])]
                    acc = terms[0]
                    for bidx in bfly:
                        acc = acc + acc[bidx]
                    sums = jnp.where(lane == j, acc, sums)
                return sums

            sums = lax.fori_loop(0, 8, j_body, jnp.zeros((L,), jnp.float32))
            ov[pl.ds(g * L, L)] = 1.0 - jnp.exp(-sums)
            return 0

        lax.fori_loop(0, GROUPS, group_body, 0)
        base = jnp.minimum(c * CHUNK, R - CHUNK)
        pltpu.async_copy(ov, out_hbm.at[pl.ds(base, CHUNK)], sos[b])

    issue(wid, 0)

    def outer_body(o, _):
        i0 = o * 2
        for b in range(2):
            i = i0 + b
            c = wid + i * NW

            @pl.when(c < NCHUNKS)
            def _(c=c, b=b, i=i):
                cn = wid + (i + 1) * NW

                @pl.when(cn < NCHUNKS)
                def _():
                    issue(cn, 1 - b)
                drain_in(b)

                @pl.when(i >= 2)
                def _():
                    drain_out(b)
                compute(c, b)
        return 0

    lax.fori_loop(0, OUTER, outer_body, 0)

    n_valid = (NCHUNKS - wid + NW - 1) // NW
    for b in range(2):
        @pl.when(n_valid >= 1 + b)
        def _(b=b):
            drain_out(b)


def kernel(opacity, deltas, leaves):
    run = pl.kernel(
        _occupancy_body,
        out_type=jax.ShapeDtypeStruct((R,), jnp.float32),
        mesh=plsc.VectorSubcoreMesh(
            core_axis_name="c", subcore_axis_name="s",
            num_cores=NC, num_subcores=NS,
        ),
        compiler_params=pltpu.CompilerParams(needs_layout_passes=False),
        scratch_types=[
            pltpu.VMEM((R,), jnp.float32),
            pltpu.VMEM((CELEMS,), jnp.int32),
            pltpu.VMEM((CELEMS,), jnp.int32),
            pltpu.VMEM((CELEMS,), jnp.float32),
            pltpu.VMEM((CELEMS,), jnp.float32),
            pltpu.VMEM((CHUNK,), jnp.float32),
            pltpu.VMEM((CHUNK,), jnp.float32),
            pltpu.SemaphoreType.DMA,
            pltpu.SemaphoreType.DMA,
            pltpu.SemaphoreType.DMA,
            pltpu.SemaphoreType.DMA,
            pltpu.SemaphoreType.DMA,
            pltpu.SemaphoreType.DMA,
        ],
    )
    return run(opacity, deltas.reshape(R * S), leaves.reshape(R * S))

# --- scband reference (transcript-rebuilt; emitter-appended) ---
"""Pipeline reference for scband-occupancy-68264210202776 (READ-ONLY COPY).

The authoritative reference and input builder live on the scoring server;
editing this copy changes nothing except your own understanding.
"""

import jax, jax.numpy as jnp
import numpy as np

N_VOXELS = 100000
N_SAMPLES = 128

def setup_inputs(seed: int = 0) -> dict:
    key = jax.random.key(seed)
    k1, k2, k3 = jax.random.split(key, 3)
    opacity = jax.random.uniform(k1, (N_VOXELS,), dtype=jnp.float32)
    deltas = jax.random.uniform(k2, (N_VOXELS, N_SAMPLES), dtype=jnp.float32) * 0.1
    leaves = jax.random.randint(k3, (N_VOXELS, N_SAMPLES), 0, N_VOXELS, dtype=jnp.int32)
    return {"opacity": opacity, "deltas": deltas, "leaves": leaves}

def reference(opacity, deltas, leaves):
    # Faithful translation of Occupancy.forward for a single camera:
    #   opacity gather -> alpha -> clipped transmittance -> shifted cumprod -> weighted sum
    num_rays = leaves.shape[0]
    op = jnp.take(opacity, leaves, axis=0)            # [R, S] gather (embedding lookup)
    alpha = 1.0 - jnp.exp(-(op * deltas))             # [R, S]
    ones = jnp.ones_like(alpha)
    trans = jnp.minimum(ones, 1.0 - alpha + 1e-10)    # [R, S]
    # split([1, S-1]) and prepend a column of ones (left_trans)
    left_trans = jnp.ones((num_rays, 1), dtype=jnp.float32)
    trans = jnp.concatenate([left_trans, trans[:, :-1]], axis=-1)
    weights = alpha * jnp.cumprod(trans, axis=-1)     # [R, S]
    output = weights.sum(axis=-1)                     # [R]
    return output

if __name__ == "__main__":
    import jax
    _d = setup_inputs()
    print(jax.jit(kernel)(*tuple(_d.values())))

</pallas_src>

<mosaic_0001>
#map = affine_map<(d0, d1) -> (0)>
module attributes {stable_mosaic.version = 14 : i64} {
  func.func @_occupancy_body(%arg0: i32, %arg1: i32, %arg2: memref<100000xf32, #tpu.memory_space<hbm>>, %arg3: memref<12800000xf32, #tpu.memory_space<hbm>>, %arg4: memref<12800000xi32, #tpu.memory_space<hbm>>, %arg5: memref<100000xf32, #tpu.memory_space<hbm>>, %arg6: memref<100000xf32, #tpu.memory_space<vmem>>, %arg7: memref<6144xi32, #tpu.memory_space<vmem>>, %arg8: memref<6144xi32, #tpu.memory_space<vmem>>, %arg9: memref<6144xf32, #tpu.memory_space<vmem>>, %arg10: memref<6144xf32, #tpu.memory_space<vmem>>, %arg11: memref<48xf32, #tpu.memory_space<vmem>>, %arg12: memref<48xf32, #tpu.memory_space<vmem>>, %arg13: memref<!tpu.dma_semaphore, #tpu.memory_space<semaphore_mem>>, %arg14: memref<!tpu.dma_semaphore, #tpu.memory_space<semaphore_mem>>, %arg15: memref<!tpu.dma_semaphore, #tpu.memory_space<semaphore_mem>>, %arg16: memref<!tpu.dma_semaphore, #tpu.memory_space<semaphore_mem>>, %arg17: memref<!tpu.dma_semaphore, #tpu.memory_space<semaphore_mem>>, %arg18: memref<!tpu.dma_semaphore, #tpu.memory_space<semaphore_mem>>) attributes {dimension_semantics = [#tpu.dimension_semantics<core_parallel>, #tpu.dimension_semantics<subcore_parallel>], iteration_bounds = array<i64: 2, 16>, scalar_prefetch = 0 : i64, scratch_operands = 13 : i64, tpu.core_type = #tpu.core_type<sc_vector_subcore>, window_params = [{transform_indices = #map}, {transform_indices = #map}, {transform_indices = #map}, {transform_indices = #map}]} {
    %mul3A = arith.constant 2 : i32
    %mul3A_0 = arith.muli %arg1, %mul3A : i32
    %add3A = arith.addi %mul3A_0, %arg0 : i32
    "tpu.region"() ({
      %run_scoped3A = tpu.sem_alloc : memref<!tpu.dma_semaphore, #tpu.memory_space<semaphore_mem>>
      tpu.enqueue_dma source(%arg2 : memref<100000xf32, #tpu.memory_space<hbm>>) target(%arg6 : memref<100000xf32, #tpu.memory_space<vmem>>) target_semaphore(%run_scoped3A : memref<!tpu.dma_semaphore, #tpu.memory_space<semaphore_mem>>)
      tpu.wait_dma2 semaphore(%run_scoped3A : memref<!tpu.dma_semaphore, #tpu.memory_space<semaphore_mem>>) src(%arg2 : memref<100000xf32, #tpu.memory_space<hbm>>) dst(%arg6 : memref<100000xf32, #tpu.memory_space<vmem>>)
      tpu.yield
    }) : () -> ()
    %iota3A = tpu.iota {dimensions = array<i32: 0>} : vector<16xi32>
    %xor3A = arith.constant 8 : i32
    %xor3A_1 = vector.broadcast %xor3A : i32 to vector<16xi32>
    %xor3A_2 = arith.xori %iota3A, %xor3A_1 : vector<16xi32>
    %xor3A_3 = arith.constant 4 : i32
    %xor3A_4 = vector.broadcast %xor3A_3 : i32 to vector<16xi32>
    %xor3A_5 = arith.xori %iota3A, %xor3A_4 : vector<16xi32>
    %xor3A_6 = arith.constant 2 : i32
    %xor3A_7 = vector.broadcast %xor3A_6 : i32 to vector<16xi32>
    %xor3A_8 = arith.xori %iota3A, %xor3A_7 : vector<16xi32>
    %xor3A_9 = arith.constant 1 : i32
    %xor3A_10 = vector.broadcast %xor3A_9 : i32 to vector<16xi32>
    %xor3A_11 = arith.xori %iota3A, %xor3A_10 : vector<16xi32>
    %mul3A_12 = arith.constant 48 : i32
    %mul3A_13 = arith.muli %add3A, %mul3A_12 : i32
    %min3A = arith.constant 99952 : i32
    %min3A_14 = arith.minsi %mul3A_13, %min3A : i32
    %mul3A_15 = arith.constant 128 : i32
    %mul3A_16 = arith.muli %min3A_14, %mul3A_15 : i32
    %dma_start3A = tpu.memref_slice %arg4[%mul3A_16] : memref<12800000xi32, #tpu.memory_space<hbm>> -> memref<6144xi32, #tpu.memory_space<hbm>>
    %dma_start3A_17 = tpu.memref_slice %arg4[%mul3A_16] : memref<12800000xi32, #tpu.memory_space<hbm>> -> memref<6144xi32, #tpu.memory_space<hbm>>
    tpu.enqueue_dma source(%dma_start3A_17 : memref<6144xi32, #tpu.memory_space<hbm>>) target(%arg7 : memref<6144xi32, #tpu.memory_space<vmem>>) target_semaphore(%arg13 : memref<!tpu.dma_semaphore, #tpu.memory_space<semaphore_mem>>)
    %mul3A_18 = arith.constant 128 : i32
    %mul3A_19 = arith.muli %min3A_14, %mul3A_18 : i32
    %dma_start3A_20 = tpu.memref_slice %arg3[%mul3A_19] : memref<12800000xf32, #tpu.memory_space<hbm>> -> memref<6144xf32, #tpu.memory_space<hbm>>
    %dma_start3A_21 = tpu.memref_slice %arg3[%mul3A_19] : memref<12800000xf32, #tpu.memory_space<hbm>> -> memref<6144xf32, #tpu.memory_space<hbm>>
    tpu.enqueue_dma source(%dma_start3A_21 : memref<6144xf32, #tpu.memory_space<hbm>>) target(%arg9 : memref<6144xf32, #tpu.memory_space<vmem>>) target_semaphore(%arg15 : memref<!tpu.dma_semaphore, #tpu.memory_space<semaphore_mem>>)
    %scan3A = arith.constant 0 : i32
    %scan3A_22 = arith.constant 0 : i32
    %scan3A_23 = arith.constant 33 : i32
    %scan3A_24 = arith.addi %scan3A_22, %scan3A_23 : i32
    %scan3A_25 = arith.constant 1 : i32
    %scan3A_26 = scf.for %scan3A_57 = %scan3A_22 to %scan3A_24 step %scan3A_25 iter_args(%scan3A_58 = %scan3A) -> (i32)  : i32 {
      %mul3A_59 = arith.constant 2 : i32
      %mul3A_60 = arith.muli %scan3A_57, %mul3A_59 : i32
      %add3A_61 = arith.constant 0 : i32
      %add3A_62 = arith.addi %mul3A_60, %add3A_61 : i32
      %mul3A_63 = arith.constant 32 : i32
      %mul3A_64 = arith.muli %add3A_62, %mul3A_63 : i32
      %add3A_65 = arith.addi %add3A, %mul3A_64 : i32
      %lt3A = arith.constant 2084 : i32
      %lt3A_66 = arith.cmpi slt, %add3A_65, %lt3A : i32
      %convert_element_type3A_67 = arith.extui %lt3A_66 : i1 to i32
      %cond3A_68 = arith.constant 0 : i32
      %cond3A_69 = arith.cmpi ne, %convert_element_type3A_67, %cond3A_68 : i32
      scf.if %cond3A_69 {
        %add3A_81 = arith.constant 1 : i32
        %add3A_82 = arith.addi %add3A_62, %add3A_81 : i32
        %mul3A_83 = arith.constant 32 : i32
        %mul3A_84 = arith.muli %add3A_82, %mul3A_83 : i32
        %add3A_85 = arith.addi %add3A, %mul3A_84 : i32
        %lt3A_86 = arith.constant 2084 : i32
        %lt3A_87 = arith.cmpi slt, %add3A_85, %lt3A_86 : i32
        %convert_element_type3A_88 = arith.extui %lt3A_87 : i1 to i32
        %cond3A_89 = arith.constant 0 : i32
        %cond3A_90 = arith.cmpi ne, %convert_element_type3A_88, %cond3A_89 : i32
        scf.if %cond3A_90 {
          %mul3A_116 = arith.constant 48 : i32
          %mul3A_117 = arith.muli %add3A_85, %mul3A_116 : i32
          %min3A_118 = arith.constant 99952 : i32
          %min3A_119 = arith.minsi %mul3A_117, %min3A_118 : i32
          %mul3A_120 = arith.constant 128 : i32
          %mul3A_121 = arith.muli %min3A_119, %mul3A_120 : i32
          %dma_start3A_122 = tpu.memref_slice %arg4[%mul3A_121] : memref<12800000xi32, #tpu.memory_space<hbm>> -> memref<6144xi32, #tpu.memory_space<hbm>>
          %dma_start3A_123 = tpu.memref_slice %arg4[%mul3A_121] : memref<12800000xi32, #tpu.memory_space<hbm>> -> memref<6144xi32, #tpu.memory_space<hbm>>
          tpu.enqueue_dma source(%dma_start3A_123 : memref<6144xi32, #tpu.memory_space<hbm>>) target(%arg8 : memref<6144xi32, #tpu.memory_space<vmem>>) target_semaphore(%arg14 : memref<!tpu.dma_semaphore, #tpu.memory_space<semaphore_mem>>)
          %mul3A_124 = arith.constant 128 : i32
          %mul3A_125 = arith.muli %min3A_119, %mul3A_124 : i32
          %dma_start3A_126 = tpu.memref_slice %arg3[%mul3A_125] : memref<12800000xf32, #tpu.memory_space<hbm>> -> memref<6144xf32, #tpu.memory_space<hbm>>
          %dma_start3A_127 = tpu.memref_slice %arg3[%mul3A_125] : memref<12800000xf32, #tpu.memory_space<hbm>> -> memref<6144xf32, #tpu.memory_space<hbm>>
          tpu.enqueue_dma source(%dma_start3A_127 : memref<6144xf32, #tpu.memory_space<hbm>>) target(%arg10 : memref<6144xf32, #tpu.memory_space<vmem>>) target_semaphore(%arg16 : memref<!tpu.dma_semaphore, #tpu.memory_space<semaphore_mem>>)
        } else {
        }
        %dma_wait3A = arith.constant 0 : i32
        %dma_wait3A_91 = tpu.memref_slice %arg4[%dma_wait3A] : memref<12800000xi32, #tpu.memory_space<hbm>> -> memref<6144xi32, #tpu.memory_space<hbm>>
        %dma_wait3A_92 = arith.constant 0 : i32
        %dma_wait3A_93 = tpu.memref_slice %arg4[%dma_wait3A_92] : memref<12800000xi32, #tpu.memory_space<hbm>> -> memref<6144xi32, #tpu.memory_space<hbm>>
        tpu.wait_dma2 semaphore(%arg13 : memref<!tpu.dma_semaphore, #tpu.memory_space<semaphore_mem>>) src(%dma_wait3A_93 : memref<6144xi32, #tpu.memory_space<hbm>>) dst(%arg7 : memref<6144xi32, #tpu.memory_space<vmem>>)
        %dma_wait3A_94 = arith.constant 0 : i32
        %dma_wait3A_95 = tpu.memref_slice %arg3[%dma_wait3A_94] : memref<12800000xf32, #tpu.memory_space<hbm>> -> memref<6144xf32, #tpu.memory_space<hbm>>
        %dma_wait3A_96 = arith.constant 0 : i32
        %dma_wait3A_97 = tpu.memref_slice %arg3[%dma_wait3A_96] : memref<12800000xf32, #tpu.memory_space<hbm>> -> memref<6144xf32, #tpu.memory_space<hbm>>
        tpu.wait_dma2 semaphore(%arg15 : memref<!tpu.dma_semaphore, #tpu.memory_space<semaphore_mem>>) src(%dma_wait3A_97 : memref<6144xf32, #tpu.memory_space<hbm>>) dst(%arg9 : memref<6144xf32, #tpu.memory_space<vmem>>)
        %ge3A_98 = arith.constant 2 : i32
        %ge3A_99 = arith.cmpi sge, %add3A_62, %ge3A_98 : i32
        %convert_element_type3A_100 = arith.extui %ge3A_99 : i1 to i32
        %cond3A_101 = arith.constant 0 : i32
        %cond3A_102 = arith.cmpi ne, %convert_element_type3A_100, %cond3A_101 : i32
        scf.if %cond3A_102 {
          %dma_wait3A_116 = arith.constant 0 : i32
          %dma_wait3A_117 = tpu.memref_slice %arg5[%dma_wait3A_116] : memref<100000xf32, #tpu.memory_space<hbm>> -> memref<48xf32, #tpu.memory_space<hbm>>
          %dma_wait3A_118 = arith.constant 0 : i32
          %dma_wait3A_119 = tpu.memref_slice %arg5[%dma_wait3A_118] : memref<100000xf32, #tpu.memory_space<hbm>> -> memref<48xf32, #tpu.memory_space<hbm>>
          tpu.wait_dma2 semaphore(%arg17 : memref<!tpu.dma_semaphore, #tpu.memory_space<semaphore_mem>>) src(%arg11 : memref<48xf32, #tpu.memory_space<vmem>>) dst(%dma_wait3A_119 : memref<48xf32, #tpu.memory_space<hbm>>)
        } else {
        }
        %scan3A_103 = arith.constant 0 : i32
        %scan3A_104 = arith.constant 0 : i32
        %scan3A_105 = arith.constant 3 : i32
        %scan3A_106 = arith.addi %scan3A_104, %scan3A_105 : i32
        %scan3A_107 = arith.constant 1 : i32
        %scan3A_108 = scf.for %scan3A_116 = %scan3A_104 to %scan3A_106 step %scan3A_107 iter_args(%scan3A_117 = %scan3A_103) -> (i32)  : i32 {
          %broadcast_in_dim3A = arith.constant 0.000000e+00 : f32
          %broadcast_in_dim3A_118 = vector.broadcast %broadcast_in_dim3A : f32 to vector<16xf32>
          %scan3A_119 = arith.constant 0 : i32
          %scan3A_120 = arith.constant 8 : i32
          %scan3A_121 = arith.addi %scan3A_119, %scan3A_120 : i32
          %scan3A_122 = arith.constant 1 : i32
          %scan3A_123 = scf.for %scan3A_134 = %scan3A_119 to %scan3A_121 step %scan3A_122 iter_args(%scan3A_135 = %broadcast_in_dim3A_118) -> (vector<16xf32>)  : i32 {
            %mul3A_136 = arith.constant 2 : i32
            %mul3A_137 = arith.muli %scan3A_134, %mul3A_136 : i32
            %add3A_138 = arith.constant 0 : i32
            %add3A_139 = arith.addi %mul3A_137, %add3A_138 : i32
            %mul3A_140 = arith.constant 16 : i32
            %mul3A_141 = arith.muli %scan3A_116, %mul3A_140 : i32
            %add3A_142 = arith.addi %mul3A_141, %add3A_139 : i32
            %mul3A_143 = arith.constant 128 : i32
            %mul3A_144 = arith.muli %add3A_142, %mul3A_143 : i32
            %add3A_145 = arith.constant 0 : i32
            %add3A_146 = arith.addi %mul3A_144, %add3A_145 : i32
            %get3A = arith.index_cast %add3A_146 : i32 to index
            %get3A_147 = tpu.vector_load %arg7[%get3A] {strides = array<i32>} : memref<6144xi32, #tpu.memory_space<vmem>>, vector<16xi32>,
            %gather3A = tpu.vector_load_idx %arg6[%get3A_147] : memref<100000xf32, #tpu.memory_space<vmem>>[vector<16xi32>], vector<16xf32>,
            %add3A_148 = arith.constant 0 : i32
            %add3A_149 = arith.addi %mul3A_144, %add3A_148 : i32
            %get3A_150 = arith.index_cast %add3A_149 : i32 to index
            %get3A_151 = tpu.vector_load %arg9[%get3A_150] {strides = array<i32>} : memref<6144xf32, #tpu.memory_space<vmem>>, vector<16xf32>,
            %mul3A_152 = arith.mulf %gather3A, %get3A_151 : vector<16xf32>
            %add3A_153 = arith.constant 16 : i32
            %add3A_154 = arith.addi %mul3A_144, %add3A_153 : i32
            %get3A_155 = arith.index_cast %add3A_154 : i32 to index
            %get3A_156 = tpu.vector_load %arg7[%get3A_155] {strides = array<i32>} : memref<6144xi32, #tpu.memory_space<vmem>>, vector<16xi32>,
            %gather3A_157 = tpu.vector_load_idx %arg6[%get3A_156] : memref<100000xf32, #tpu.memory_space<vmem>>[vector<16xi32>], vector<16xf32>,
            %add3A_158 = arith.constant 16 : i32
            %add3A_159 = arith.addi %mul3A_144, %add3A_158 : i32
            %get3A_160 = arith.index_cast %add3A_159 : i32 to index
            %get3A_161 = tpu.vector_load %arg9[%get3A_160] {strides = array<i32>} : memref<6144xf32, #tpu.memory_space<vmem>>, vector<16xf32>,
            %mul3A_162 = arith.mulf %gather3A_157, %get3A_161 : vector<16xf32>
            %add3A_163 = arith.constant 32 : i32
            %add3A_164 = arith.addi %mul3A_144, %add3A_163 : i32
            %get3A_165 = arith.index_cast %add3A_164 : i32 to index
            %get3A_166 = tpu.vector_load %arg7[%get3A_165] {strides = array<i32>} : memref<6144xi32, #tpu.memory_space<vmem>>, vector<16xi32>,
            %gather3A_167 = tpu.vector_load_idx %arg6[%get3A_166] : memref<100000xf32, #tpu.memory_space<vmem>>[vector<16xi32>], vector<16xf32>,
            %add3A_168 = arith.constant 32 : i32
            %add3A_169 = arith.addi %mul3A_144, %add3A_168 : i32
            %get3A_170 = arith.index_cast %add3A_169 : i32 to index
            %get3A_171 = tpu.vector_load %arg9[%get3A_170] {strides = array<i32>} : memref<6144xf32, #tpu.memory_space<vmem>>, vector<16xf32>,
            %mul3A_172 = arith.mulf %gather3A_167, %get3A_171 : vector<16xf32>
            %add3A_173 = arith.constant 48 : i32
            %add3A_174 = arith.addi %mul3A_144, %add3A_173 : i32
            %get3A_175 = arith.index_cast %add3A_174 : i32 to index
            %get3A_176 = tpu.vector_load %arg7[%get3A_175] {strides = array<i32>} : memref<6144xi32, #tpu.memory_space<vmem>>, vector<16xi32>,
            %gather3A_177 = tpu.vector_load_idx %arg6[%get3A_176] : memref<100000xf32, #tpu.memory_space<vmem>>[vector<16xi32>], vector<16xf32>,
            %add3A_178 = arith.constant 48 : i32
            %add3A_179 = arith.addi %mul3A_144, %add3A_178 : i32
            %get3A_180 = arith.index_cast %add3A_179 : i32 to index
            %get3A_181 = tpu.vector_load %arg9[%get3A_180] {strides = array<i32>} : memref<6144xf32, #tpu.memory_space<vmem>>, vector<16xf32>,
            %mul3A_182 = arith.mulf %gather3A_177, %get3A_181 : vector<16xf32>
            %add3A_183 = arith.constant 64 : i32
            %add3A_184 = arith.addi %mul3A_144, %add3A_183 : i32
            %get3A_185 = arith.index_cast %add3A_184 : i32 to index
            %get3A_186 = tpu.vector_load %arg7[%get3A_185] {strides = array<i32>} : memref<6144xi32, #tpu.memory_space<vmem>>, vector<16xi32>,
            %gather3A_187 = tpu.vector_load_idx %arg6[%get3A_186] : memref<100000xf32, #tpu.memory_space<vmem>>[vector<16xi32>], vector<16xf32>,
            %add3A_188 = arith.constant 64 : i32
            %add3A_189 = arith.addi %mul3A_144, %add3A_188 : i32
            %get3A_190 = arith.index_cast %add3A_189 : i32 to index
            %get3A_191 = tpu.vector_load %arg9[%get3A_190] {strides = array<i32>} : memref<6144xf32, #tpu.memory_space<vmem>>, vector<16xf32>,
            %mul3A_192 = arith.mulf %gather3A_187, %get3A_191 : vector<16xf32>
            %add3A_193 = arith.constant 80 : i32
            %add3A_194 = arith.addi %mul3A_144, %add3A_193 : i32
            %get3A_195 = arith.index_cast %add3A_194 : i32 to index
            %get3A_196 = tpu.vector_load %arg7[%get3A_195] {strides = array<i32>} : memref<6144xi32, #tpu.memory_space<vmem>>, vector<16xi32>,
            %gather3A_197 = tpu.vector_load_idx %arg6[%get3A_196] : memref<100000xf32, #tpu.memory_space<vmem>>[vector<16xi32>], vector<16xf32>,
            %add3A_198 = arith.constant 80 : i32
            %add3A_199 = arith.addi %mul3A_144, %add3A_198 : i32
            %get3A_200 = arith.index_cast %add3A_199 : i32 to index
            %get3A_201 = tpu.vector_load %arg9[%get3A_200] {strides = array<i32>} : memref<6144xf32, #tpu.memory_space<vmem>>, vector<16xf32>,
            %mul3A_202 = arith.mulf %gather3A_197, %get3A_201 : vector<16xf32>
            %add3A_203 = arith.constant 96 : i32
            %add3A_204 = arith.addi %mul3A_144, %add3A_203 : i32
            %get3A_205 = arith.index_cast %add3A_204 : i32 to index
            %get3A_206 = tpu.vector_load %arg7[%get3A_205] {strides = array<i32>} : memref<6144xi32, #tpu.memory_space<vmem>>, vector<16xi32>,
            %gather3A_207 = tpu.vector_load_idx %arg6[%get3A_206] : memref<100000xf32, #tpu.memory_space<vmem>>[vector<16xi32>], vector<16xf32>,
            %add3A_208 = arith.constant 96 : i32
            %add3A_209 = arith.addi %mul3A_144, %add3A_208 : i32
            %get3A_210 = arith.index_cast %add3A_209 : i32 to index
            %get3A_211 = tpu.vector_load %arg9[%get3A_210] {strides = array<i32>} : memref<6144xf32, #tpu.memory_space<vmem>>, vector<16xf32>,
            %mul3A_212 = arith.mulf %gather3A_207, %get3A_211 : vector<16xf32>
            %add3A_213 = arith.constant 112 : i32
            %add3A_214 = arith.addi %mul3A_144, %add3A_213 : i32
            %get3A_215 = arith.index_cast %add3A_214 : i32 to index
            %get3A_216 = tpu.vector_load %arg7[%get3A_215] {strides = array<i32>} : memref<6144xi32, #tpu.memory_space<vmem>>, vector<16xi32>,
            %gather3A_217 = tpu.vector_load_idx %arg6[%get3A_216] : memref<100000xf32, #tpu.memory_space<vmem>>[vector<16xi32>], vector<16xf32>,
            %add3A_218 = arith.constant 112 : i32
            %add3A_219 = arith.addi %mul3A_144, %add3A_218 : i32
            %get3A_220 = arith.index_cast %add3A_219 : i32 to index
            %get3A_221 = tpu.vector_load %arg9[%get3A_220] {strides = array<i32>} : memref<6144xf32, #tpu.memory_space<vmem>>, vector<16xf32>,
            %mul3A_222 = arith.mulf %gather3A_217, %get3A_221 : vector<16xf32>
            %add3A_223 = arith.addf %mul3A_152, %mul3A_162 : vector<16xf32>
            %add3A_224 = arith.addf %mul3A_172, %mul3A_182 : vector<16xf32>
            %add3A_225 = arith.addf %mul3A_192, %mul3A_202 : vector<16xf32>
            %add3A_226 = arith.addf %mul3A_212, %mul3A_222 : vector<16xf32>
            %add3A_227 = arith.addf %add3A_223, %add3A_224 : vector<16xf32>
            %add3A_228 = arith.addf %add3A_225, %add3A_226 : vector<16xf32>
            %add3A_229 = arith.addf %add3A_227, %add3A_228 : vector<16xf32>
            %lt3A_230 = arith.constant 0 : i32
            %lt3A_231 = vector.broadcast %lt3A_230 : i32 to vector<16xi32>
            %lt3A_232 = arith.cmpi slt, %xor3A_2, %lt3A_231 : vector<16xi32>
            %add3A_233 = arith.constant 16 : i32
            %add3A_234 = vector.broadcast %add3A_233 : i32 to vector<16xi32>
            %add3A_235 = arith.addi %xor3A_2, %add3A_234 : vector<16xi32>
            %select_n3A_236 = arith.select %lt3A_232, %add3A_235, %xor3A_2 : vector<16xi1>, vector<16xi32>
            %broadcast_in_dim3A_237 = vector.shape_cast %select_n3A_236 : vector<16xi32> to vector<16x1xi32>
            %gather3A_238 = vector.shape_cast %broadcast_in_dim3A_237 : vector<16x1xi32> to vector<16xi32>
            %gather3A_239 = tpu.dynamic_gather %add3A_229[%gather3A_238] in [0] : vector<16xf32>, vector<16xi32> -> vector<16xf32>
            %add3A_240 = arith.addf %add3A_229, %gather3A_239 : vector<16xf32>
            %lt3A_241 = arith.constant 0 : i32
            %lt3A_242 = vector.broadcast %lt3A_241 : i32 to vector<16xi32>
            %lt3A_243 = arith.cmpi slt, %xor3A_5, %lt3A_242 : vector<16xi32>
            %add3A_244 = arith.constant 16 : i32
            %add3A_245 = vector.broadcast %add3A_244 : i32 to vector<16xi32>
            %add3A_246 = arith.addi %xor3A_5, %add3A_245 : vector<16xi32>
            %select_n3A_247 = arith.select %lt3A_243, %add3A_246, %xor3A_5 : vector<16xi1>, vector<16xi32>
            %broadcast_in_dim3A_248 = vector.shape_cast %select_n3A_247 : vector<16xi32> to vector<16x1xi32>
            %gather3A_249 = vector.shape_cast %broadcast_in_dim3A_248 : vector<16x1xi32> to vector<16xi32>
            %gather3A_250 = tpu.dynamic_gather %add3A_240[%gather3A_249] in [0] : vector<16xf32>, vector<16xi32> -> vector<16xf32>
            %add3A_251 = arith.addf %add3A_240, %gather3A_250 : vector<16xf32>
            %lt3A_252 = arith.constant 0 : i32
            %lt3A_253 = vector.broadcast %lt3A_252 : i32 to vector<16xi32>
            %lt3A_254 = arith.cmpi slt, %xor3A_8, %lt3A_253 : vector<16xi32>
            %add3A_255 = arith.constant 16 : i32
            %add3A_256 = vector.broadcast %add3A_255 : i32 to vector<16xi32>
            %add3A_257 = arith.addi %xor3A_8, %add3A_256 : vector<16xi32>
            %select_n3A_258 = arith.select %lt3A_254, %add3A_257, %xor3A_8 : vector<16xi1>, vector<16xi32>
            %broadcast_in_dim3A_259 = vector.shape_cast %select_n3A_258 : vector<16xi32> to vector<16x1xi32>
            %gather3A_260 = vector.shape_cast %broadcast_in_dim3A_259 : vector<16x1xi32> to vector<16xi32>
            %gather3A_261 = tpu.dynamic_gather %add3A_251[%gather3A_260] in [0] : vector<16xf32>, vector<16xi32> -> vector<16xf32>
            %add3A_262 = arith.addf %add3A_251, %gather3A_261 : vector<16xf32>
            %lt3A_263 = arith.constant 0 : i32
            %lt3A_264 = vector.broadcast %lt3A_263 : i32 to vector<16xi32>
            %lt3A_265 = arith.cmpi slt, %xor3A_11, %lt3A_264 : vector<16xi32>
            %add3A_266 = arith.constant 16 : i32
            %add3A_267 = vector.broadcast %add3A_266 : i32 to vector<16xi32>
            %add3A_268 = arith.addi %xor3A_11, %add3A_267 : vector<16xi32>
            %select_n3A_269 = arith.select %lt3A_265, %add3A_268, %xor3A_11 : vector<16xi1>, vector<16xi32>
            %broadcast_in_dim3A_270 = vector.shape_cast %select_n3A_269 : vector<16xi32> to vector<16x1xi32>
            %gather3A_271 = vector.shape_cast %broadcast_in_dim3A_270 : vector<16x1xi32> to vector<16xi32>
            %gather3A_272 = tpu.dynamic_gather %add3A_262[%gather3A_271] in [0] : vector<16xf32>, vector<16xi32> -> vector<16xf32>
            %add3A_273 = arith.addf %add3A_262, %gather3A_272 : vector<16xf32>
            %eq3A = vector.broadcast %add3A_139 : i32 to vector<16xi32>
            %eq3A_274 = arith.cmpi eq, %iota3A, %eq3A : vector<16xi32>
            %select_n3A_275 = arith.select %eq3A_274, %add3A_273, %scan3A_135 : vector<16xi1>, vector<16xf32>
            %mul3A_276 = arith.constant 2 : i32
            %mul3A_277 = arith.muli %scan3A_134, %mul3A_276 : i32
            %add3A_278 = arith.constant 1 : i32
            %add3A_279 = arith.addi %mul3A_277, %add3A_278 : i32
            %mul3A_280 = arith.constant 16 : i32
            %mul3A_281 = arith.muli %scan3A_116, %mul3A_280 : i32
            %add3A_282 = arith.addi %mul3A_281, %add3A_279 : i32
            %mul3A_283 = arith.constant 128 : i32
            %mul3A_284 = arith.muli %add3A_282, %mul3A_283 : i32
            %add3A_285 = arith.constant 0 : i32
            %add3A_286 = arith.addi %mul3A_284, %add3A_285 : i32
            %get3A_287 = arith.index_cast %add3A_286 : i32 to index
            %get3A_288 = tpu.vector_load %arg7[%get3A_287] {strides = array<i32>} : memref<6144xi32, #tpu.memory_space<vmem>>, vector<16xi32>,
            %gather3A_289 = tpu.vector_load_idx %arg6[%get3A_288] : memref<100000xf32, #tpu.memory_space<vmem>>[vector<16xi32>], vector<16xf32>,
            %add3A_290 = arith.constant 0 : i32
            %add3A_291 = arith.addi %mul3A_284, %add3A_290 : i32
            %get3A_292 = arith.index_cast %add3A_291 : i32 to index
            %get3A_293 = tpu.vector_load %arg9[%get3A_292] {strides = array<i32>} : memref<6144xf32, #tpu.memory_space<vmem>>, vector<16xf32>,
            %mul3A_294 = arith.mulf %gather3A_289, %get3A_293 : vector<16xf32>
            %add3A_295 = arith.constant 16 : i32
            %add3A_296 = arith.addi %mul3A_284, %add3A_295 : i32
            %get3A_297 = arith.index_cast %add3A_296 : i32 to index
            %get3A_298 = tpu.vector_load %arg7[%get3A_297] {strides = array<i32>} : memref<6144xi32, #tpu.memory_space<vmem>>, vector<16xi32>,
            %gather3A_299 = tpu.vector_load_idx %arg6[%get3A_298] : memref<100000xf32, #tpu.memory_space<vmem>>[vector<16xi32>], vector<16xf32>,
            %add3A_300 = arith.constant 16 : i32
            %add3A_301 = arith.addi %mul3A_284, %add3A_300 : i32
            %get3A_302 = arith.index_cast %add3A_301 : i32 to index
            %get3A_303 = tpu.vector_load %arg9[%get3A_302] {strides = array<i32>} : memref<6144xf32, #tpu.memory_space<vmem>>, vector<16xf32>,
            %mul3A_304 = arith.mulf %gather3A_299, %get3A_303 : vector<16xf32>
            %add3A_305 = arith.constant 32 : i32
            %add3A_306 = arith.addi %mul3A_284, %add3A_305 : i32
            %get3A_307 = arith.index_cast %add3A_306 : i32 to index
            %get3A_308 = tpu.vector_load %arg7[%get3A_307] {strides = array<i32>} : memref<6144xi32, #tpu.memory_space<vmem>>, vector<16xi32>,
            %gather3A_309 = tpu.vector_load_idx %arg6[%get3A_308] : memref<100000xf32, #tpu.memory_space<vmem>>[vector<16xi32>], vector<16xf32>,
            %add3A_310 = arith.constant 32 : i32
            %add3A_311 = arith.addi %mul3A_284, %add3A_310 : i32
            %get3A_312 = arith.index_cast %add3A_311 : i32 to index
            %get3A_313 = tpu.vector_load %arg9[%get3A_312] {strides = array<i32>} : memref<6144xf32, #tpu.memory_space<vmem>>, vector<16xf32>,
            %mul3A_314 = arith.mulf %gather3A_309, %get3A_313 : vector<16xf32>
            %add3A_315 = arith.constant 48 : i32
            %add3A_316 = arith.addi %mul3A_284, %add3A_315 : i32
            %get3A_317 = arith.index_cast %add3A_316 : i32 to index
            %get3A_318 = tpu.vector_load %arg7[%get3A_317] {strides = array<i32>} : memref<6144xi32, #tpu.memory_space<vmem>>, vector<16xi32>,
            %gather3A_319 = tpu.vector_load_idx %arg6[%get3A_318] : memref<100000xf32, #tpu.memory_space<vmem>>[vector<16xi32>], vector<16xf32>,
            %add3A_320 = arith.constant 48 : i32
            %add3A_321 = arith.addi %mul3A_284, %add3A_320 : i32
            %get3A_322 = arith.index_cast %add3A_321 : i32 to index
            %get3A_323 = tpu.vector_load %arg9[%get3A_322] {strides = array<i32>} : memref<6144xf32, #tpu.memory_space<vmem>>, vector<16xf32>,
            %mul3A_324 = arith.mulf %gather3A_319, %get3A_323 : vector<16xf32>
            %add3A_325 = arith.constant 64 : i32
            %add3A_326 = arith.addi %mul3A_284, %add3A_325 : i32
            %get3A_327 = arith.index_cast %add3A_326 : i32 to index
            %get3A_328 = tpu.vector_load %arg7[%get3A_327] {strides = array<i32>} : memref<6144xi32, #tpu.memory_space<vmem>>, vector<16xi32>,
            %gather3A_329 = tpu.vector_load_idx %arg6[%get3A_328] : memref<100000xf32, #tpu.memory_space<vmem>>[vector<16xi32>], vector<16xf32>,
            %add3A_330 = arith.constant 64 : i32
            %add3A_331 = arith.addi %mul3A_284, %add3A_330 : i32
            %get3A_332 = arith.index_cast %add3A_331 : i32 to index
            %get3A_333 = tpu.vector_load %arg9[%get3A_332] {strides = array<i32>} : memref<6144xf32, #tpu.memory_space<vmem>>, vector<16xf32>,
            %mul3A_334 = arith.mulf %gather3A_329, %get3A_333 : vector<16xf32>
            %add3A_335 = arith.constant 80 : i32
            %add3A_336 = arith.addi %mul3A_284, %add3A_335 : i32
            %get3A_337 = arith.index_cast %add3A_336 : i32 to index
            %get3A_338 = tpu.vector_load %arg7[%get3A_337] {strides = array<i32>} : memref<6144xi32, #tpu.memory_space<vmem>>, vector<16xi32>,
            %gather3A_339 = tpu.vector_load_idx %arg6[%get3A_338] : memref<100000xf32, #tpu.memory_space<vmem>>[vector<16xi32>], vector<16xf32>,
            %add3A_340 = arith.constant 80 : i32
            %add3A_341 = arith.addi %mul3A_284, %add3A_340 : i32
            %get3A_342 = arith.index_cast %add3A_341 : i32 to index
            %get3A_343 = tpu.vector_load %arg9[%get3A_342] {strides = array<i32>} : memref<6144xf32, #tpu.memory_space<vmem>>, vector<16xf32>,
            %mul3A_344 = arith.mulf %gather3A_339, %get3A_343 : vector<16xf32>
            %add3A_345 = arith.constant 96 : i32
            %add3A_346 = arith.addi %mul3A_284, %add3A_345 : i32
            %get3A_347 = arith.index_cast %add3A_346 : i32 to index
            %get3A_348 = tpu.vector_load %arg7[%get3A_347] {strides = array<i32>} : memref<6144xi32, #tpu.memory_space<vmem>>, vector<16xi32>,
            %gather3A_349 = tpu.vector_load_idx %arg6[%get3A_348] : memref<100000xf32, #tpu.memory_space<vmem>>[vector<16xi32>], vector<16xf32>,
            %add3A_350 = arith.constant 96 : i32
            %add3A_351 = arith.addi %mul3A_284, %add3A_350 : i32
            %get3A_352 = arith.index_cast %add3A_351 : i32 to index
            %get3A_353 = tpu.vector_load %arg9[%get3A_352] {strides = array<i32>} : memref<6144xf32, #tpu.memory_space<vmem>>, vector<16xf32>,
            %mul3A_354 = arith.mulf %gather3A_349, %get3A_353 : vector<16xf32>
            %add3A_355 = arith.constant 112 : i32
            %add3A_356 = arith.addi %mul3A_284, %add3A_355 : i32
            %get3A_357 = arith.index_cast %add3A_356 : i32 to index
            %get3A_358 = tpu.vector_load %arg7[%get3A_357] {strides = array<i32>} : memref<6144xi32, #tpu.memory_space<vmem>>, vector<16xi32>,
            %gather3A_359 = tpu.vector_load_idx %arg6[%get3A_358] : memref<100000xf32, #tpu.memory_space<vmem>>[vector<16xi32>], vector<16xf32>,
            %add3A_360 = arith.constant 112 : i32
            %add3A_361 = arith.addi %mul3A_284, %add3A_360 : i32
            %get3A_362 = arith.index_cast %add3A_361 : i32 to index
            %get3A_363 = tpu.vector_load %arg9[%get3A_362] {strides = array<i32>} : memref<6144xf32, #tpu.memory_space<vmem>>, vector<16xf32>,
            %mul3A_364 = arith.mulf %gather3A_359, %get3A_363 : vector<16xf32>
            %add3A_365 = arith.addf %mul3A_294, %mul3A_304 : vector<16xf32>
            %add3A_366 = arith.addf %mul3A_314, %mul3A_324 : vector<16xf32>
            %add3A_367 = arith.addf %mul3A_334, %mul3A_344 : vector<16xf32>
            %add3A_368 = arith.addf %mul3A_354, %mul3A_364 : vector<16xf32>
            %add3A_369 = arith.addf %add3A_365, %add3A_366 : vector<16xf32>
            %add3A_370 = arith.addf %add3A_367, %add3A_368 : vector<16xf32>
            %add3A_371 = arith.addf %add3A_369, %add3A_370 : vector<16xf32>
            %lt3A_372 = arith.constant 0 : i32
            %lt3A_373 = vector.broadcast %lt3A_372 : i32 to vector<16xi32>
            %lt3A_374 = arith.cmpi slt, %xor3A_2, %lt3A_373 : vector<16xi32>
            %add3A_375 = arith.constant 16 : i32
            %add3A_376 = vector.broadcast %add3A_375 : i32 to vector<16xi32>
            %add3A_377 = arith.addi %xor3A_2, %add3A_376 : vector<16xi32>
            %select_n3A_378 = arith.select %lt3A_374, %add3A_377, %xor3A_2 : vector<16xi1>, vector<16xi32>
            %broadcast_in_dim3A_379 = vector.shape_cast %select_n3A_378 : vector<16xi32> to vector<16x1xi32>
            %gather3A_380 = vector.shape_cast %broadcast_in_dim3A_379 : vector<16x1xi32> to vector<16xi32>
            %gather3A_381 = tpu.dynamic_gather %add3A_371[%gather3A_380] in [0] : vector<16xf32>, vector<16xi32> -> vector<16xf32>
            %add3A_382 = arith.addf %add3A_371, %gather3A_381 : vector<16xf32>
            %lt3A_383 = arith.constant 0 : i32
            %lt3A_384 = vector.broadcast %lt3A_383 : i32 to vector<16xi32>
            %lt3A_385 = arith.cmpi slt, %xor3A_5, %lt3A_384 : vector<16xi32>
            %add3A_386 = arith.constant 16 : i32
            %add3A_387 = vector.broadcast %add3A_386 : i32 to vector<16xi32>
            %add3A_388 = arith.addi %xor3A_5, %add3A_387 : vector<16xi32>
            %select_n3A_389 = arith.select %lt3A_385, %add3A_388, %xor3A_5 : vector<16xi1>, vector<16xi32>
            %broadcast_in_dim3A_390 = vector.shape_cast %select_n3A_389 : vector<16xi32> to vector<16x1xi32>
            %gather3A_391 = vector.shape_cast %broadcast_in_dim3A_390 : vector<16x1xi32> to vector<16xi32>
            %gather3A_392 = tpu.dynamic_gather %add3A_382[%gather3A_391] in [0] : vector<16xf32>, vector<16xi32> -> vector<16xf32>
            %add3A_393 = arith.addf %add3A_382, %gather3A_392 : vector<16xf32>
            %lt3A_394 = arith.constant 0 : i32
            %lt3A_395 = vector.broadcast %lt3A_394 : i32 to vector<16xi32>
            %lt3A_396 = arith.cmpi slt, %xor3A_8, %lt3A_395 : vector<16xi32>
            %add3A_397 = arith.constant 16 : i32
            %add3A_398 = vector.broadcast %add3A_397 : i32 to vector<16xi32>
            %add3A_399 = arith.addi %xor3A_8, %add3A_398 : vector<16xi32>
            %select_n3A_400 = arith.select %lt3A_396, %add3A_399, %xor3A_8 : vector<16xi1>, vector<16xi32>
            %broadcast_in_dim3A_401 = vector.shape_cast %select_n3A_400 : vector<16xi32> to vector<16x1xi32>
            %gather3A_402 = vector.shape_cast %broadcast_in_dim3A_401 : vector<16x1xi32> to vector<16xi32>
            %gather3A_403 = tpu.dynamic_gather %add3A_393[%gather3A_402] in [0] : vector<16xf32>, vector<16xi32> -> vector<16xf32>
            %add3A_404 = arith.addf %add3A_393, %gather3A_403 : vector<16xf32>
            %lt3A_405 = arith.constant 0 : i32
            %lt3A_406 = vector.broadcast %lt3A_405 : i32 to vector<16xi32>
            %lt3A_407 = arith.cmpi slt, %xor3A_11, %lt3A_406 : vector<16xi32>
            %add3A_408 = arith.constant 16 : i32
            %add3A_409 = vector.broadcast %add3A_408 : i32 to vector<16xi32>
            %add3A_410 = arith.addi %xor3A_11, %add3A_409 : vector<16xi32>
            %select_n3A_411 = arith.select %lt3A_407, %add3A_410, %xor3A_11 : vector<16xi1>, vector<16xi32>
            %broadcast_in_dim3A_412 = vector.shape_cast %select_n3A_411 : vector<16xi32> to vector<16x1xi32>
            %gather3A_413 = vector.shape_cast %broadcast_in_dim3A_412 : vector<16x1xi32> to vector<16xi32>
            %gather3A_414 = tpu.dynamic_gather %add3A_404[%gather3A_413] in [0] : vector<16xf32>, vector<16xi32> -> vector<16xf32>
            %add3A_415 = arith.addf %add3A_404, %gather3A_414 : vector<16xf32>
            %eq3A_416 = vector.broadcast %add3A_279 : i32 to vector<16xi32>
            %eq3A_417 = arith.cmpi eq, %iota3A, %eq3A_416 : vector<16xi32>
            %select_n3A_418 = arith.select %eq3A_417, %add3A_415, %select_n3A_275 : vector<16xi1>, vector<16xf32>
            scf.yield %select_n3A_418 : vector<16xf32>
          }
          %scan3A_124 = arith.constant 8 : i32
          %neg3A = arith.constant 0.000000e+00 : f32
          %neg3A_125 = vector.broadcast %neg3A : f32 to vector<16xf32>
          %neg3A_126 = arith.subf %neg3A_125, %scan3A_123 : vector<16xf32>
          %exp3A = math.exp %neg3A_126 : vector<16xf32>
          %sub3A_127 = arith.constant 1.000000e+00 : f32
          %sub3A_128 = vector.broadcast %sub3A_127 : f32 to vector<16xf32>
          %sub3A_129 = arith.subf %sub3A_128, %exp3A : vector<16xf32>
          %mul3A_130 = arith.constant 16 : i32
          %mul3A_131 = arith.muli %scan3A_116, %mul3A_130 : i32
          %swap3A = arith.index_cast %mul3A_131 : i32 to index
          %swap3A_132 = tpu.vector_load %arg11[%swap3A] {strides = array<i32>} : memref<48xf32, #tpu.memory_space<vmem>>, vector<16xf32>,
          tpu.vector_store %arg11[%swap3A], %sub3A_129 {strides = array<i32>} : memref<48xf32, #tpu.memory_space<vmem>>, vector<16xf32>,
          %scan3A_133 = arith.constant 0 : i32
          scf.yield %scan3A_133 : i32
        }
        %scan3A_109 = arith.constant 3 : i32
        %mul3A_110 = arith.constant 48 : i32
        %mul3A_111 = arith.muli %add3A_65, %mul3A_110 : i32
        %min3A_112 = arith.constant 99952 : i32
        %min3A_113 = arith.minsi %mul3A_111, %min3A_112 : i32
        %dma_start3A_114 = tpu.memref_slice %arg5[%min3A_113] : memref<100000xf32, #tpu.memory_space<hbm>> -> memref<48xf32, #tpu.memory_space<hbm>>
        %dma_start3A_115 = tpu.memref_slice %arg5[%min3A_113] : memref<100000xf32, #tpu.memory_space<hbm>> -> memref<48xf32, #tpu.memory_space<hbm>>
        tpu.enqueue_dma source(%arg11 : memref<48xf32, #tpu.memory_space<vmem>>) target(%dma_start3A_115 : memref<48xf32, #tpu.memory_space<hbm>>) target_semaphore(%arg17 : memref<!tpu.dma_semaphore, #tpu.memory_space<semaphore_mem>>)
      } else {
      }
      %add3A_70 = arith.constant 1 : i32
      %add3A_71 = arith.addi %mul3A_60, %add3A_70 : i32
      %mul3A_72 = arith.constant 32 : i32
      %mul3A_73 = arith.muli %add3A_71, %mul3A_72 : i32
      %add3A_74 = arith.addi %add3A, %mul3A_73 : i32
      %lt3A_75 = arith.constant 2084 : i32
      %lt3A_76 = arith.cmpi slt, %add3A_74, %lt3A_75 : i32
      %convert_element_type3A_77 = arith.extui %lt3A_76 : i1 to i32
      %cond3A_78 = arith.constant 0 : i32
      %cond3A_79 = arith.cmpi ne, %convert_element_type3A_77, %cond3A_78 : i32
      scf.if %cond3A_79 {
        %add3A_81 = arith.constant 1 : i32
        %add3A_82 = arith.addi %add3A_71, %add3A_81 : i32
        %mul3A_83 = arith.constant 32 : i32
        %mul3A_84 = arith.muli %add3A_82, %mul3A_83 : i32
        %add3A_85 = arith.addi %add3A, %mul3A_84 : i32
        %lt3A_86 = arith.constant 2084 : i32
        %lt3A_87 = arith.cmpi slt, %add3A_85, %lt3A_86 : i32
        %convert_element_type3A_88 = arith.extui %lt3A_87 : i1 to i32
        %cond3A_89 = arith.constant 0 : i32
        %cond3A_90 = arith.cmpi ne, %convert_element_type3A_88, %cond3A_89 : i32
        scf.if %cond3A_90 {
          %mul3A_116 = arith.constant 48 : i32
          %mul3A_117 = arith.muli %add3A_85, %mul3A_116 : i32
          %min3A_118 = arith.constant 99952 : i32
          %min3A_119 = arith.minsi %mul3A_117, %min3A_118 : i32
          %mul3A_120 = arith.constant 128 : i32
          %mul3A_121 = arith.muli %min3A_119, %mul3A_120 : i32
          %dma_start3A_122 = tpu.memref_slice %arg4[%mul3A_121] : memref<12800000xi32, #tpu.memory_space<hbm>> -> memref<6144xi32, #tpu.memory_space<hbm>>
          %dma_start3A_123 = tpu.memref_slice %arg4[%mul3A_121] : memref<12800000xi32, #tpu.memory_space<hbm>> -> memref<6144xi32, #tpu.memory_space<hbm>>
          tpu.enqueue_dma source(%dma_start3A_123 : memref<6144xi32, #tpu.memory_space<hbm>>) target(%arg7 : memref<6144xi32, #tpu.memory_space<vmem>>) target_semaphore(%arg13 : memref<!tpu.dma_semaphore, #tpu.memory_space<semaphore_mem>>)
          %mul3A_124 = arith.constant 128 : i32
          %mul3A_125 = arith.muli %min3A_119, %mul3A_124 : i32
          %dma_start3A_126 = tpu.memref_slice %arg3[%mul3A_125] : memref<12800000xf32, #tpu.memory_space<hbm>> -> memref<6144xf32, #tpu.memory_space<hbm>>
          %dma_start3A_127 = tpu.memref_slice %arg3[%mul3A_125] : memref<12800000xf32, #tpu.memory_space<hbm>> -> memref<6144xf32, #tpu.memory_space<hbm>>
          tpu.enqueue_dma source(%dma_start3A_127 : memref<6144xf32, #tpu.memory_space<hbm>>) target(%arg9 : memref<6144xf32, #tpu.memory_space<vmem>>) target_semaphore(%arg15 : memref<!tpu.dma_semaphore, #tpu.memory_space<semaphore_mem>>)
        } else {
        }
        %dma_wait3A = arith.constant 0 : i32
        %dma_wait3A_91 = tpu.memref_slice %arg4[%dma_wait3A] : memref<12800000xi32, #tpu.memory_space<hbm>> -> memref<6144xi32, #tpu.memory_space<hbm>>
        %dma_wait3A_92 = arith.constant 0 : i32
        %dma_wait3A_93 = tpu.memref_slice %arg4[%dma_wait3A_92] : memref<12800000xi32, #tpu.memory_space<hbm>> -> memref<6144xi32, #tpu.memory_space<hbm>>
        tpu.wait_dma2 semaphore(%arg14 : memref<!tpu.dma_semaphore, #tpu.memory_space<semaphore_mem>>) src(%dma_wait3A_93 : memref<6144xi32, #tpu.memory_space<hbm>>) dst(%arg8 : memref<6144xi32, #tpu.memory_space<vmem>>)
        %dma_wait3A_94 = arith.constant 0 : i32
        %dma_wait3A_95 = tpu.memref_slice %arg3[%dma_wait3A_94] : memref<12800000xf32, #tpu.memory_space<hbm>> -> memref<6144xf32, #tpu.memory_space<hbm>>
        %dma_wait3A_96 = arith.constant 0 : i32
        %dma_wait3A_97 = tpu.memref_slice %arg3[%dma_wait3A_96] : memref<12800000xf32, #tpu.memory_space<hbm>> -> memref<6144xf32, #tpu.memory_space<hbm>>
        tpu.wait_dma2 semaphore(%arg16 : memref<!tpu.dma_semaphore, #tpu.memory_space<semaphore_mem>>) src(%dma_wait3A_97 : memref<6144xf32, #tpu.memory_space<hbm>>) dst(%arg10 : memref<6144xf32, #tpu.memory_space<vmem>>)
        %ge3A_98 = arith.constant 2 : i32
        %ge3A_99 = arith.cmpi sge, %add3A_71, %ge3A_98 : i32
        %convert_element_type3A_100 = arith.extui %ge3A_99 : i1 to i32
        %cond3A_101 = arith.constant 0 : i32
        %cond3A_102 = arith.cmpi ne, %convert_element_type3A_100, %cond3A_101 : i32
        scf.if %cond3A_102 {
          %dma_wait3A_116 = arith.constant 0 : i32
          %dma_wait3A_117 = tpu.memref_slice %arg5[%dma_wait3A_116] : memref<100000xf32, #tpu.memory_space<hbm>> -> memref<48xf32, #tpu.memory_space<hbm>>
          %dma_wait3A_118 = arith.constant 0 : i32
          %dma_wait3A_119 = tpu.memref_slice %arg5[%dma_wait3A_118] : memref<100000xf32, #tpu.memory_space<hbm>> -> memref<48xf32, #tpu.memory_space<hbm>>
          tpu.wait_dma2 semaphore(%arg18 : memref<!tpu.dma_semaphore, #tpu.memory_space<semaphore_mem>>) src(%arg12 : memref<48xf32, #tpu.memory_space<vmem>>) dst(%dma_wait3A_119 : memref<48xf32, #tpu.memory_space<hbm>>)
        } else {
        }
        %scan3A_103 = arith.constant 0 : i32
        %scan3A_104 = arith.constant 0 : i32
        %scan3A_105 = arith.constant 3 : i32
        %scan3A_106 = arith.addi %scan3A_104, %scan3A_105 : i32
        %scan3A_107 = arith.constant 1 : i32
        %scan3A_108 = scf.for %scan3A_116 = %scan3A_104 to %scan3A_106 step %scan3A_107 iter_args(%scan3A_117 = %scan3A_103) -> (i32)  : i32 {
          %broadcast_in_dim3A = arith.constant 0.000000e+00 : f32
          %broadcast_in_dim3A_118 = vector.broadcast %broadcast_in_dim3A : f32 to vector<16xf32>
          %scan3A_119 = arith.constant 0 : i32
          %scan3A_120 = arith.constant 8 : i32
          %scan3A_121 = arith.addi %scan3A_119, %scan3A_120 : i32
          %scan3A_122 = arith.constant 1 : i32
          %scan3A_123 = scf.for %scan3A_134 = %scan3A_119 to %scan3A_121 step %scan3A_122 iter_args(%scan3A_135 = %broadcast_in_dim3A_118) -> (vector<16xf32>)  : i32 {
            %mul3A_136 = arith.constant 2 : i32
            %mul3A_137 = arith.muli %scan3A_134, %mul3A_136 : i32
            %add3A_138 = arith.constant 0 : i32
            %add3A_139 = arith.addi %mul3A_137, %add3A_138 : i32
            %mul3A_140 = arith.constant 16 : i32
            %mul3A_141 = arith.muli %scan3A_116, %mul3A_140 : i32
            %add3A_142 = arith.addi %mul3A_141, %add3A_139 : i32
            %mul3A_143 = arith.constant 128 : i32
            %mul3A_144 = arith.muli %add3A_142, %mul3A_143 : i32
            %add3A_145 = arith.constant 0 : i32
            %add3A_146 = arith.addi %mul3A_144, %add3A_145 : i32
            %get3A = arith.index_cast %add3A_146 : i32 to index
            %get3A_147 = tpu.vector_load %arg8[%get3A] {strides = array<i32>} : memref<6144xi32, #tpu.memory_space<vmem>>, vector<16xi32>,
            %gather3A = tpu.vector_load_idx %arg6[%get3A_147] : memref<100000xf32, #tpu.memory_space<vmem>>[vector<16xi32>], vector<16xf32>,
            %add3A_148 = arith.constant 0 : i32
            %add3A_149 = arith.addi %mul3A_144, %add3A_148 : i32
            %get3A_150 = arith.index_cast %add3A_149 : i32 to index
            %get3A_151 = tpu.vector_load %arg10[%get3A_150] {strides = array<i32>} : memref<6144xf32, #tpu.memory_space<vmem>>, vector<16xf32>,
            %mul3A_152 = arith.mulf %gather3A, %get3A_151 : vector<16xf32>
            %add3A_153 = arith.constant 16 : i32
            %add3A_154 = arith.addi %mul3A_144, %add3A_153 : i32
            %get3A_155 = arith.index_cast %add3A_154 : i32 to index
            %get3A_156 = tpu.vector_load %arg8[%get3A_155] {strides = array<i32>} : memref<6144xi32, #tpu.memory_space<vmem>>, vector<16xi32>,
            %gather3A_157 = tpu.vector_load_idx %arg6[%get3A_156] : memref<100000xf32, #tpu.memory_space<vmem>>[vector<16xi32>], vector<16xf32>,
            %add3A_158 = arith.constant 16 : i32
            %add3A_159 = arith.addi %mul3A_144, %add3A_158 : i32
            %get3A_160 = arith.index_cast %add3A_159 : i32 to index
            %get3A_161 = tpu.vector_load %arg10[%get3A_160] {strides = array<i32>} : memref<6144xf32, #tpu.memory_space<vmem>>, vector<16xf32>,
            %mul3A_162 = arith.mulf %gather3A_157, %get3A_161 : vector<16xf32>
            %add3A_163 = arith.constant 32 : i32
            %add3A_164 = arith.addi %mul3A_144, %add3A_163 : i32
            %get3A_165 = arith.index_cast %add3A_164 : i32 to index
            %get3A_166 = tpu.vector_load %arg8[%get3A_165] {strides = array<i32>} : memref<6144xi32, #tpu.memory_space<vmem>>, vector<16xi32>,
            %gather3A_167 = tpu.vector_load_idx %arg6[%get3A_166] : memref<100000xf32, #tpu.memory_space<vmem>>[vector<16xi32>], vector<16xf32>,
            %add3A_168 = arith.constant 32 : i32
            %add3A_169 = arith.addi %mul3A_144, %add3A_168 : i32
            %get3A_170 = arith.index_cast %add3A_169 : i32 to index
            %get3A_171 = tpu.vector_load %arg10[%get3A_170] {strides = array<i32>} : memref<6144xf32, #tpu.memory_space<vmem>>, vector<16xf32>,
            %mul3A_172 = arith.mulf %gather3A_167, %get3A_171 : vector<16xf32>
            %add3A_173 = arith.constant 48 : i32
            %add3A_174 = arith.addi %mul3A_144, %add3A_173 : i32
            %get3A_175 = arith.index_cast %add3A_174 : i32 to index
            %get3A_176 = tpu.vector_load %arg8[%get3A_175] {strides = array<i32>} : memref<6144xi32, #tpu.memory_space<vmem>>, vector<16xi32>,
            %gather3A_177 = tpu.vector_load_idx %arg6[%get3A_176] : memref<100000xf32, #tpu.memory_space<vmem>>[vector<16xi32>], vector<16xf32>,
            %add3A_178 = arith.constant 48 : i32
            %add3A_179 = arith.addi %mul3A_144, %add3A_178 : i32
            %get3A_180 = arith.index_cast %add3A_179 : i32 to index
            %get3A_181 = tpu.vector_load %arg10[%get3A_180] {strides = array<i32>} : memref<6144xf32, #tpu.memory_space<vmem>>, vector<16xf32>,
            %mul3A_182 = arith.mulf %gather3A_177, %get3A_181 : vector<16xf32>
            %add3A_183 = arith.constant 64 : i32
            %add3A_184 = arith.addi %mul3A_144, %add3A_183 : i32
            %get3A_185 = arith.index_cast %add3A_184 : i32 to index
            %get3A_186 = tpu.vector_load %arg8[%get3A_185] {strides = array<i32>} : memref<6144xi32, #tpu.memory_space<vmem>>, vector<16xi32>,
            %gather3A_187 = tpu.vector_load_idx %arg6[%get3A_186] : memref<100000xf32, #tpu.memory_space<vmem>>[vector<16xi32>], vector<16xf32>,
            %add3A_188 = arith.constant 64 : i32
            %add3A_189 = arith.addi %mul3A_144, %add3A_188 : i32
            %get3A_190 = arith.index_cast %add3A_189 : i32 to index
            %get3A_191 = tpu.vector_load %arg10[%get3A_190] {strides = array<i32>} : memref<6144xf32, #tpu.memory_space<vmem>>, vector<16xf32>,
            %mul3A_192 = arith.mulf %gather3A_187, %get3A_191 : vector<16xf32>
            %add3A_193 = arith.constant 80 : i32
            %add3A_194 = arith.addi %mul3A_144, %add3A_193 : i32
            %get3A_195 = arith.index_cast %add3A_194 : i32 to index
            %get3A_196 = tpu.vector_load %arg8[%get3A_195] {strides = array<i32>} : memref<6144xi32, #tpu.memory_space<vmem>>, vector<16xi32>,
            %gather3A_197 = tpu.vector_load_idx %arg6[%get3A_196] : memref<100000xf32, #tpu.memory_space<vmem>>[vector<16xi32>], vector<16xf32>,
            %add3A_198 = arith.constant 80 : i32
            %add3A_199 = arith.addi %mul3A_144, %add3A_198 : i32
            %get3A_200 = arith.index_cast %add3A_199 : i32 to index
            %get3A_201 = tpu.vector_load %arg10[%get3A_200] {strides = array<i32>} : memref<6144xf32, #tpu.memory_space<vmem>>, vector<16xf32>,
            %mul3A_202 = arith.mulf %gather3A_197, %get3A_201 : vector<16xf32>
            %add3A_203 = arith.constant 96 : i32
            %add3A_204 = arith.addi %mul3A_144, %add3A_203 : i32
            %get3A_205 = arith.index_cast %add3A_204 : i32 to index
            %get3A_206 = tpu.vector_load %arg8[%get3A_205] {strides = array<i32>} : memref<6144xi32, #tpu.memory_space<vmem>>, vector<16xi32>,
            %gather3A_207 = tpu.vector_load_idx %arg6[%get3A_206] : memref<100000xf32, #tpu.memory_space<vmem>>[vector<16xi32>], vector<16xf32>,
            %add3A_208 = arith.constant 96 : i32
            %add3A_209 = arith.addi %mul3A_144, %add3A_208 : i32
            %get3A_210 = arith.index_cast %add3A_209 : i32 to index
            %get3A_211 = tpu.vector_load %arg10[%get3A_210] {strides = array<i32>} : memref<6144xf32, #tpu.memory_space<vmem>>, vector<16xf32>,
            %mul3A_212 = arith.mulf %gather3A_207, %get3A_211 : vector<16xf32>
            %add3A_213 = arith.constant 112 : i32
            %add3A_214 = arith.addi %mul3A_144, %add3A_213 : i32
            %get3A_215 = arith.index_cast %add3A_214 : i32 to index
            %get3A_216 = tpu.vector_load %arg8[%get3A_215] {strides = array<i32>} : memref<6144xi32, #tpu.memory_space<vmem>>, vector<16xi32>,
            %gather3A_217 = tpu.vector_load_idx %arg6[%get3A_216] : memref<100000xf32, #tpu.memory_space<vmem>>[vector<16xi32>], vector<16xf32>,
            %add3A_218 = arith.constant 112 : i32
            %add3A_219 = arith.addi %mul3A_144, %add3A_218 : i32
            %get3A_220 = arith.index_cast %add3A_219 : i32 to index
            %get3A_221 = tpu.vector_load %arg10[%get3A_220] {strides = array<i32>} : memref<6144xf32, #tpu.memory_space<vmem>>, vector<16xf32>,
            %mul3A_222 = arith.mulf %gather3A_217, %get3A_221 : vector<16xf32>
            %add3A_223 = arith.addf %mul3A_152, %mul3A_162 : vector<16xf32>
            %add3A_224 = arith.addf %mul3A_172, %mul3A_182 : vector<16xf32>
            %add3A_225 = arith.addf %mul3A_192, %mul3A_202 : vector<16xf32>
            %add3A_226 = arith.addf %mul3A_212, %mul3A_222 : vector<16xf32>
            %add3A_227 = arith.addf %add3A_223, %add3A_224 : vector<16xf32>
            %add3A_228 = arith.addf %add3A_225, %add3A_226 : vector<16xf32>
            %add3A_229 = arith.addf %add3A_227, %add3A_228 : vector<16xf32>
            %lt3A_230 = arith.constant 0 : i32
            %lt3A_231 = vector.broadcast %lt3A_230 : i32 to vector<16xi32>
            %lt3A_232 = arith.cmpi slt, %xor3A_2, %lt3A_231 : vector<16xi32>
            %add3A_233 = arith.constant 16 : i32
            %add3A_234 = vector.broadcast %add3A_233 : i32 to vector<16xi32>
            %add3A_235 = arith.addi %xor3A_2, %add3A_234 : vector<16xi32>
            %select_n3A_236 = arith.select %lt3A_232, %add3A_235, %xor3A_2 : vector<16xi1>, vector<16xi32>
            %broadcast_in_dim3A_237 = vector.shape_cast %select_n3A_236 : vector<16xi32> to vector<16x1xi32>
            %gather3A_238 = vector.shape_cast %broadcast_in_dim3A_237 : vector<16x1xi32> to vector<16xi32>
            %gather3A_239 = tpu.dynamic_gather %add3A_229[%gather3A_238] in [0] : vector<16xf32>, vector<16xi32> -> vector<16xf32>
            %add3A_240 = arith.addf %add3A_229, %gather3A_239 : vector<16xf32>
            %lt3A_241 = arith.constant 0 : i32
            %lt3A_242 = vector.broadcast %lt3A_241 : i32 to vector<16xi32>
            %lt3A_243 = arith.cmpi slt, %xor3A_5, %lt3A_242 : vector<16xi32>
            %add3A_244 = arith.constant 16 : i32
            %add3A_245 = vector.broadcast %add3A_244 : i32 to vector<16xi32>
            %add3A_246 = arith.addi %xor3A_5, %add3A_245 : vector<16xi32>
            %select_n3A_247 = arith.select %lt3A_243, %add3A_246, %xor3A_5 : vector<16xi1>, vector<16xi32>
            %broadcast_in_dim3A_248 = vector.shape_cast %select_n3A_247 : vector<16xi32> to vector<16x1xi32>
            %gather3A_249 = vector.shape_cast %broadcast_in_dim3A_248 : vector<16x1xi32> to vector<16xi32>
            %gather3A_250 = tpu.dynamic_gather %add3A_240[%gather3A_249] in [0] : vector<16xf32>, vector<16xi32> -> vector<16xf32>
            %add3A_251 = arith.addf %add3A_240, %gather3A_250 : vector<16xf32>
            %lt3A_252 = arith.constant 0 : i32
            %lt3A_253 = vector.broadcast %lt3A_252 : i32 to vector<16xi32>
            %lt3A_254 = arith.cmpi slt, %xor3A_8, %lt3A_253 : vector<16xi32>
            %add3A_255 = arith.constant 16 : i32
            %add3A_256 = vector.broadcast %add3A_255 : i32 to vector<16xi32>
            %add3A_257 = arith.addi %xor3A_8, %add3A_256 : vector<16xi32>
            %select_n3A_258 = arith.select %lt3A_254, %add3A_257, %xor3A_8 : vector<16xi1>, vector<16xi32>
            %broadcast_in_dim3A_259 = vector.shape_cast %select_n3A_258 : vector<16xi32> to vector<16x1xi32>
            %gather3A_260 = vector.shape_cast %broadcast_in_dim3A_259 : vector<16x1xi32> to vector<16xi32>
            %gather3A_261 = tpu.dynamic_gather %add3A_251[%gather3A_260] in [0] : vector<16xf32>, vector<16xi32> -> vector<16xf32>
            %add3A_262 = arith.addf %add3A_251, %gather3A_261 : vector<16xf32>
            %lt3A_263 = arith.constant 0 : i32
            %lt3A_264 = vector.broadcast %lt3A_263 : i32 to vector<16xi32>
            %lt3A_265 = arith.cmpi slt, %xor3A_11, %lt3A_264 : vector<16xi32>
            %add3A_266 = arith.constant 16 : i32
            %add3A_267 = vector.broadcast %add3A_266 : i32 to vector<16xi32>
            %add3A_268 = arith.addi %xor3A_11, %add3A_267 : vector<16xi32>
            %select_n3A_269 = arith.select %lt3A_265, %add3A_268, %xor3A_11 : vector<16xi1>, vector<16xi32>
            %broadcast_in_dim3A_270 = vector.shape_cast %select_n3A_269 : vector<16xi32> to vector<16x1xi32>
            %gather3A_271 = vector.shape_cast %broadcast_in_dim3A_270 : vector<16x1xi32> to vector<16xi32>
            %gather3A_272 = tpu.dynamic_gather %add3A_262[%gather3A_271] in [0] : vector<16xf32>, vector<16xi32> -> vector<16xf32>
            %add3A_273 = arith.addf %add3A_262, %gather3A_272 : vector<16xf32>
            %eq3A = vector.broadcast %add3A_139 : i32 to vector<16xi32>
            %eq3A_274 = arith.cmpi eq, %iota3A, %eq3A : vector<16xi32>
            %select_n3A_275 = arith.select %eq3A_274, %add3A_273, %scan3A_135 : vector<16xi1>, vector<16xf32>
            %mul3A_276 = arith.constant 2 : i32
            %mul3A_277 = arith.muli %scan3A_134, %mul3A_276 : i32
            %add3A_278 = arith.constant 1 : i32
            %add3A_279 = arith.addi %mul3A_277, %add3A_278 : i32
            %mul3A_280 = arith.constant 16 : i32
            %mul3A_281 = arith.muli %scan3A_116, %mul3A_280 : i32
            %add3A_282 = arith.addi %mul3A_281, %add3A_279 : i32
            %mul3A_283 = arith.constant 128 : i32
            %mul3A_284 = arith.muli %add3A_282, %mul3A_283 : i32
            %add3A_285 = arith.constant 0 : i32
            %add3A_286 = arith.addi %mul3A_284, %add3A_285 : i32
            %get3A_287 = arith.index_cast %add3A_286 : i32 to index
            %get3A_288 = tpu.vector_load %arg8[%get3A_287] {strides = array<i32>} : memref<6144xi32, #tpu.memory_space<vmem>>, vector<16xi32>,
            %gather3A_289 = tpu.vector_load_idx %arg6[%get3A_288] : memref<100000xf32, #tpu.memory_space<vmem>>[vector<16xi32>], vector<16xf32>,
            %add3A_290 = arith.constant 0 : i32
            %add3A_291 = arith.addi %mul3A_284, %add3A_290 : i32
            %get3A_292 = arith.index_cast %add3A_291 : i32 to index
            %get3A_293 = tpu.vector_load %arg10[%get3A_292] {strides = array<i32>} : memref<6144xf32, #tpu.memory_space<vmem>>, vector<16xf32>,
            %mul3A_294 = arith.mulf %gather3A_289, %get3A_293 : vector<16xf32>
            %add3A_295 = arith.constant 16 : i32
            %add3A_296 = arith.addi %mul3A_284, %add3A_295 : i32
            %get3A_297 = arith.index_cast %add3A_296 : i32 to index
            %get3A_298 = tpu.vector_load %arg8[%get3A_297] {strides = array<i32>} : memref<6144xi32, #tpu.memory_space<vmem>>, vector<16xi32>,
            %gather3A_299 = tpu.vector_load_idx %arg6[%get3A_298] : memref<100000xf32, #tpu.memory_space<vmem>>[vector<16xi32>], vector<16xf32>,
            %add3A_300 = arith.constant 16 : i32
            %add3A_301 = arith.addi %mul3A_284, %add3A_300 : i32
            %get3A_302 = arith.index_cast %add3A_301 : i32 to index
            %get3A_303 = tpu.vector_load %arg10[%get3A_302] {strides = array<i32>} : memref<6144xf32, #tpu.memory_space<vmem>>, vector<16xf32>,
            %mul3A_304 = arith.mulf %gather3A_299, %get3A_303 : vector<16xf32>
            %add3A_305 = arith.constant 32 : i32
            %add3A_306 = arith.addi %mul3A_284, %add3A_305 : i32
            %get3A_307 = arith.index_cast %add3A_306 : i32 to index
            %get3A_308 = tpu.vector_load %arg8[%get3A_307] {strides = array<i32>} : memref<6144xi32, #tpu.memory_space<vmem>>, vector<16xi32>,
            %gather3A_309 = tpu.vector_load_idx %arg6[%get3A_308] : memref<100000xf32, #tpu.memory_space<vmem>>[vector<16xi32>], vector<16xf32>,
            %add3A_310 = arith.constant 32 : i32
            %add3A_311 = arith.addi %mul3A_284, %add3A_310 : i32
            %get3A_312 = arith.index_cast %add3A_311 : i32 to index
            %get3A_313 = tpu.vector_load %arg10[%get3A_312] {strides = array<i32>} : memref<6144xf32, #tpu.memory_space<vmem>>, vector<16xf32>,
            %mul3A_314 = arith.mulf %gather3A_309, %get3A_313 : vector<16xf32>
            %add3A_315 = arith.constant 48 : i32
            %add3A_316 = arith.addi %mul3A_284, %add3A_315 : i32
            %get3A_317 = arith.index_cast %add3A_316 : i32 to index
            %get3A_318 = tpu.vector_load %arg8[%get3A_317] {strides = array<i32>} : memref<6144xi32, #tpu.memory_space<vmem>>, vector<16xi32>,
            %gather3A_319 = tpu.vector_load_idx %arg6[%get3A_318] : memref<100000xf32, #tpu.memory_space<vmem>>[vector<16xi32>], vector<16xf32>,
            %add3A_320 = arith.constant 48 : i32
            %add3A_321 = arith.addi %mul3A_284, %add3A_320 : i32
            %get3A_322 = arith.index_cast %add3A_321 : i32 to index
            %get3A_323 = tpu.vector_load %arg10[%get3A_322] {strides = array<i32>} : memref<6144xf32, #tpu.memory_space<vmem>>, vector<16xf32>,
            %mul3A_324 = arith.mulf %gather3A_319, %get3A_323 : vector<16xf32>
            %add3A_325 = arith.constant 64 : i32
            %add3A_326 = arith.addi %mul3A_284, %add3A_325 : i32
            %get3A_327 = arith.index_cast %add3A_326 : i32 to index
            %get3A_328 = tpu.vector_load %arg8[%get3A_327] {strides = array<i32>} : memref<6144xi32, #tpu.memory_space<vmem>>, vector<16xi32>,
            %gather3A_329 = tpu.vector_load_idx %arg6[%get3A_328] : memref<100000xf32, #tpu.memory_space<vmem>>[vector<16xi32>], vector<16xf32>,
            %add3A_330 = arith.constant 64 : i32
            %add3A_331 = arith.addi %mul3A_284, %add3A_330 : i32
            %get3A_332 = arith.index_cast %add3A_331 : i32 to index
            %get3A_333 = tpu.vector_load %arg10[%get3A_332] {strides = array<i32>} : memref<6144xf32, #tpu.memory_space<vmem>>, vector<16xf32>,
            %mul3A_334 = arith.mulf %gather3A_329, %get3A_333 : vector<16xf32>
            %add3A_335 = arith.constant 80 : i32
            %add3A_336 = arith.addi %mul3A_284, %add3A_335 : i32
            %get3A_337 = arith.index_cast %add3A_336 : i32 to index
            %get3A_338 = tpu.vector_load %arg8[%get3A_337] {strides = array<i32>} : memref<6144xi32, #tpu.memory_space<vmem>>, vector<16xi32>,
            %gather3A_339 = tpu.vector_load_idx %arg6[%get3A_338] : memref<100000xf32, #tpu.memory_space<vmem>>[vector<16xi32>], vector<16xf32>,
            %add3A_340 = arith.constant 80 : i32
            %add3A_341 = arith.addi %mul3A_284, %add3A_340 : i32
            %get3A_342 = arith.index_cast %add3A_341 : i32 to index
            %get3A_343 = tpu.vector_load %arg10[%get3A_342] {strides = array<i32>} : memref<6144xf32, #tpu.memory_space<vmem>>, vector<16xf32>,
            %mul3A_344 = arith.mulf %gather3A_339, %get3A_343 : vector<16xf32>
            %add3A_345 = arith.constant 96 : i32
            %add3A_346 = arith.addi %mul3A_284, %add3A_345 : i32
            %get3A_347 = arith.index_cast %add3A_346 : i32 to index
            %get3A_348 = tpu.vector_load %arg8[%get3A_347] {strides = array<i32>} : memref<6144xi32, #tpu.memory_space<vmem>>, vector<16xi32>,
            %gather3A_349 = tpu.vector_load_idx %arg6[%get3A_348] : memref<100000xf32, #tpu.memory_space<vmem>>[vector<16xi32>], vector<16xf32>,
            %add3A_350 = arith.constant 96 : i32
            %add3A_351 = arith.addi %mul3A_284, %add3A_350 : i32
            %get3A_352 = arith.index_cast %add3A_351 : i32 to index
            %get3A_353 = tpu.vector_load %arg10[%get3A_352] {strides = array<i32>} : memref<6144xf32, #tpu.memory_space<vmem>>, vector<16xf32>,
            %mul3A_354 = arith.mulf %gather3A_349, %get3A_353 : vector<16xf32>
            %add3A_355 = arith.constant 112 : i32
            %add3A_356 = arith.addi %mul3A_284, %add3A_355 : i32
            %get3A_357 = arith.index_cast %add3A_356 : i32 to index
            %get3A_358 = tpu.vector_load %arg8[%get3A_357] {strides = array<i32>} : memref<6144xi32, #tpu.memory_space<vmem>>, vector<16xi32>,
            %gather3A_359 = tpu.vector_load_idx %arg6[%get3A_358] : memref<100000xf32, #tpu.memory_space<vmem>>[vector<16xi32>], vector<16xf32>,
            %add3A_360 = arith.constant 112 : i32
            %add3A_361 = arith.addi %mul3A_284, %add3A_360 : i32
            %get3A_362 = arith.index_cast %add3A_361 : i32 to index
            %get3A_363 = tpu.vector_load %arg10[%get3A_362] {strides = array<i32>} : memref<6144xf32, #tpu.memory_space<vmem>>, vector<16xf32>,
            %mul3A_364 = arith.mulf %gather3A_359, %get3A_363 : vector<16xf32>
            %add3A_365 = arith.addf %mul3A_294, %mul3A_304 : vector<16xf32>
            %add3A_366 = arith.addf %mul3A_314, %mul3A_324 : vector<16xf32>
            %add3A_367 = arith.addf %mul3A_334, %mul3A_344 : vector<16xf32>
            %add3A_368 = arith.addf %mul3A_354, %mul3A_364 : vector<16xf32>
            %add3A_369 = arith.addf %add3A_365, %add3A_366 : vector<16xf32>
            %add3A_370 = arith.addf %add3A_367, %add3A_368 : vector<16xf32>
            %add3A_371 = arith.addf %add3A_369, %add3A_370 : vector<16xf32>
            %lt3A_372 = arith.constant 0 : i32
            %lt3A_373 = vector.broadcast %lt3A_372 : i32 to vector<16xi32>
            %lt3A_374 = arith.cmpi slt, %xor3A_2, %lt3A_373 : vector<16xi32>
            %add3A_375 = arith.constant 16 : i32
            %add3A_376 = vector.broadcast %add3A_375 : i32 to vector<16xi32>
            %add3A_377 = arith.addi %xor3A_2, %add3A_376 : vector<16xi32>
            %select_n3A_378 = arith.select %lt3A_374, %add3A_377, %xor3A_2 : vector<16xi1>, vector<16xi32>
            %broadcast_in_dim3A_379 = vector.shape_cast %select_n3A_378 : vector<16xi32> to vector<16x1xi32>
            %gather3A_380 = vector.shape_cast %broadcast_in_dim3A_379 : vector<16x1xi32> to vector<16xi32>
            %gather3A_381 = tpu.dynamic_gather %add3A_371[%gather3A_380] in [0] : vector<16xf32>, vector<16xi32> -> vector<16xf32>
            %add3A_382 = arith.addf %add3A_371, %gather3A_381 : vector<16xf32>
            %lt3A_383 = arith.constant 0 : i32
            %lt3A_384 = vector.broadcast %lt3A_383 : i32 to vector<16xi32>
            %lt3A_385 = arith.cmpi slt, %xor3A_5, %lt3A_384 : vector<16xi32>
            %add3A_386 = arith.constant 16 : i32
            %add3A_387 = vector.broadcast %add3A_386 : i32 to vector<16xi32>
            %add3A_388 = arith.addi %xor3A_5, %add3A_387 : vector<16xi32>
            %select_n3A_389 = arith.select %lt3A_385, %add3A_388, %xor3A_5 : vector<16xi1>, vector<16xi32>
            %broadcast_in_dim3A_390 = vector.shape_cast %select_n3A_389 : vector<16xi32> to vector<16x1xi32>
            %gather3A_391 = vector.shape_cast %broadcast_in_dim3A_390 : vector<16x1xi32> to vector<16xi32>
            %gather3A_392 = tpu.dynamic_gather %add3A_382[%gather3A_391] in [0] : vector<16xf32>, vector<16xi32> -> vector<16xf32>
            %add3A_393 = arith.addf %add3A_382, %gather3A_392 : vector<16xf32>
            %lt3A_394 = arith.constant 0 : i32
            %lt3A_395 = vector.broadcast %lt3A_394 : i32 to vector<16xi32>
            %lt3A_396 = arith.cmpi slt, %xor3A_8, %lt3A_395 : vector<16xi32>
            %add3A_397 = arith.constant 16 : i32
            %add3A_398 = vector.broadcast %add3A_397 : i32 to vector<16xi32>
            %add3A_399 = arith.addi %xor3A_8, %add3A_398 : vector<16xi32>
            %select_n3A_400 = arith.select %lt3A_396, %add3A_399, %xor3A_8 : vector<16xi1>, vector<16xi32>
            %broadcast_in_dim3A_401 = vector.shape_cast %select_n3A_400 : vector<16xi32> to vector<16x1xi32>
            %gather3A_402 = vector.shape_cast %broadcast_in_dim3A_401 : vector<16x1xi32> to vector<16xi32>
            %gather3A_403 = tpu.dynamic_gather %add3A_393[%gather3A_402] in [0] : vector<16xf32>, vector<16xi32> -> vector<16xf32>
            %add3A_404 = arith.addf %add3A_393, %gather3A_403 : vector<16xf32>
            %lt3A_405 = arith.constant 0 : i32
            %lt3A_406 = vector.broadcast %lt3A_405 : i32 to vector<16xi32>
            %lt3A_407 = arith.cmpi slt, %xor3A_11, %lt3A_406 : vector<16xi32>
            %add3A_408 = arith.constant 16 : i32
            %add3A_409 = vector.broadcast %add3A_408 : i32 to vector<16xi32>
            %add3A_410 = arith.addi %xor3A_11, %add3A_409 : vector<16xi32>
            %select_n3A_411 = arith.select %lt3A_407, %add3A_410, %xor3A_11 : vector<16xi1>, vector<16xi32>
            %broadcast_in_dim3A_412 = vector.shape_cast %select_n3A_411 : vector<16xi32> to vector<16x1xi32>
            %gather3A_413 = vector.shape_cast %broadcast_in_dim3A_412 : vector<16x1xi32> to vector<16xi32>
            %gather3A_414 = tpu.dynamic_gather %add3A_404[%gather3A_413] in [0] : vector<16xf32>, vector<16xi32> -> vector<16xf32>
            %add3A_415 = arith.addf %add3A_404, %gather3A_414 : vector<16xf32>
            %eq3A_416 = vector.broadcast %add3A_279 : i32 to vector<16xi32>
            %eq3A_417 = arith.cmpi eq, %iota3A, %eq3A_416 : vector<16xi32>
            %select_n3A_418 = arith.select %eq3A_417, %add3A_415, %select_n3A_275 : vector<16xi1>, vector<16xf32>
            scf.yield %select_n3A_418 : vector<16xf32>
          }
          %scan3A_124 = arith.constant 8 : i32
          %neg3A = arith.constant 0.000000e+00 : f32
          %neg3A_125 = vector.broadcast %neg3A : f32 to vector<16xf32>
          %neg3A_126 = arith.subf %neg3A_125, %scan3A_123 : vector<16xf32>
          %exp3A = math.exp %neg3A_126 : vector<16xf32>
          %sub3A_127 = arith.constant 1.000000e+00 : f32
          %sub3A_128 = vector.broadcast %sub3A_127 : f32 to vector<16xf32>
          %sub3A_129 = arith.subf %sub3A_128, %exp3A : vector<16xf32>
          %mul3A_130 = arith.constant 16 : i32
          %mul3A_131 = arith.muli %scan3A_116, %mul3A_130 : i32
          %swap3A = arith.index_cast %mul3A_131 : i32 to index
          %swap3A_132 = tpu.vector_load %arg12[%swap3A] {strides = array<i32>} : memref<48xf32, #tpu.memory_space<vmem>>, vector<16xf32>,
          tpu.vector_store %arg12[%swap3A], %sub3A_129 {strides = array<i32>} : memref<48xf32, #tpu.memory_space<vmem>>, vector<16xf32>,
          %scan3A_133 = arith.constant 0 : i32
          scf.yield %scan3A_133 : i32
        }
        %scan3A_109 = arith.constant 3 : i32
        %mul3A_110 = arith.constant 48 : i32
        %mul3A_111 = arith.muli %add3A_74, %mul3A_110 : i32
        %min3A_112 = arith.constant 99952 : i32
        %min3A_113 = arith.minsi %mul3A_111, %min3A_112 : i32
        %dma_start3A_114 = tpu.memref_slice %arg5[%min3A_113] : memref<100000xf32, #tpu.memory_space<hbm>> -> memref<48xf32, #tpu.memory_space<hbm>>
        %dma_start3A_115 = tpu.memref_slice %arg5[%min3A_113] : memref<100000xf32, #tpu.memory_space<hbm>> -> memref<48xf32, #tpu.memory_space<hbm>>
        tpu.enqueue_dma source(%arg12 : memref<48xf32, #tpu.memory_space<vmem>>) target(%dma_start3A_115 : memref<48xf32, #tpu.memory_space<hbm>>) target_semaphore(%arg18 : memref<!tpu.dma_semaphore, #tpu.memory_space<semaphore_mem>>)
      } else {
      }
      %scan3A_80 = arith.constant 0 : i32
      scf.yield %scan3A_80 : i32
    }
    %scan3A_27 = arith.constant 33 : i32
    %sub3A = arith.constant 2084 : i32
    %sub3A_28 = arith.subi %sub3A, %add3A : i32
    %add3A_29 = arith.constant 32 : i32
    %add3A_30 = arith.addi %sub3A_28, %add3A_29 : i32
    %sub3A_31 = arith.constant 1 : i32
    %sub3A_32 = arith.subi %add3A_30, %sub3A_31 : i32
    %jit3A = arith.constant 32 : i32
    %div3A = arith.divsi %sub3A_32, %jit3A : i32
    %sign3A = arith.constant 0 : i32
    %sign3A_33 = arith.cmpi sgt, %sub3A_32, %sign3A : i32
    %sign3A_34 = arith.extui %sign3A_33 : i1 to i32
    %sign3A_35 = arith.constant 0 : i32
    %sign3A_36 = arith.cmpi slt, %sub3A_32, %sign3A_35 : i32
    %sign3A_37 = arith.extui %sign3A_36 : i1 to i32
    %sign3A_38 = arith.subi %sign3A_34, %sign3A_37 : i32
    %sign3A_39 = arith.constant 0 : i32
    %sign3A_40 = arith.cmpi sgt, %jit3A, %sign3A_39 : i32
    %sign3A_41 = arith.extui %sign3A_40 : i1 to i32
    %sign3A_42 = arith.constant 0 : i32
    %sign3A_43 = arith.cmpi slt, %jit3A, %sign3A_42 : i32
    %sign3A_44 = arith.extui %sign3A_43 : i1 to i32
    %sign3A_45 = arith.subi %sign3A_41, %sign3A_44 : i32
    %ne3A = arith.cmpi ne, %sign3A_38, %sign3A_45 : i32
    %rem3A = arith.remsi %sub3A_32, %jit3A : i32
    %ne3A_46 = arith.constant 0 : i32
    %ne3A_47 = arith.cmpi ne, %rem3A, %ne3A_46 : i32
    %and3A = arith.andi %ne3A, %ne3A_47 : i1
    %sub3A_48 = arith.constant 1 : i32
    %sub3A_49 = arith.subi %div3A, %sub3A_48 : i32
    %select_n3A = arith.select %and3A, %sub3A_49, %div3A : i32
    %ge3A = arith.constant 1 : i32
    %ge3A_50 = arith.cmpi sge, %select_n3A, %ge3A : i32
    %convert_element_type3A = arith.extui %ge3A_50 : i1 to i32
    %cond3A = arith.constant 0 : i32
    %cond3A_51 = arith.cmpi ne, %convert_element_type3A, %cond3A : i32
    scf.if %cond3A_51 {
      %dma_wait3A = arith.constant 0 : i32
      %dma_wait3A_57 = tpu.memref_slice %arg5[%dma_wait3A] : memref<100000xf32, #tpu.memory_space<hbm>> -> memref<48xf32, #tpu.memory_space<hbm>>
      %dma_wait3A_58 = arith.constant 0 : i32
      %dma_wait3A_59 = tpu.memref_slice %arg5[%dma_wait3A_58] : memref<100000xf32, #tpu.memory_space<hbm>> -> memref<48xf32, #tpu.memory_space<hbm>>
      tpu.wait_dma2 semaphore(%arg17 : memref<!tpu.dma_semaphore, #tpu.memory_space<semaphore_mem>>) src(%arg11 : memref<48xf32, #tpu.memory_space<vmem>>) dst(%dma_wait3A_59 : memref<48xf32, #tpu.memory_space<hbm>>)
    } else {
    }
    %ge3A_52 = arith.constant 2 : i32
    %ge3A_53 = arith.cmpi sge, %select_n3A, %ge3A_52 : i32
    %convert_element_type3A_54 = arith.extui %ge3A_53 : i1 to i32
    %cond3A_55 = arith.constant 0 : i32
    %cond3A_56 = arith.cmpi ne, %convert_element_type3A_54, %cond3A_55 : i32
    scf.if %cond3A_56 {
      %dma_wait3A = arith.constant 0 : i32
      %dma_wait3A_57 = tpu.memref_slice %arg5[%dma_wait3A] : memref<100000xf32, #tpu.memory_space<hbm>> -> memref<48xf32, #tpu.memory_space<hbm>>
      %dma_wait3A_58 = arith.constant 0 : i32
      %dma_wait3A_59 = tpu.memref_slice %arg5[%dma_wait3A_58] : memref<100000xf32, #tpu.memory_space<hbm>> -> memref<48xf32, #tpu.memory_space<hbm>>
      tpu.wait_dma2 semaphore(%arg18 : memref<!tpu.dma_semaphore, #tpu.memory_space<semaphore_mem>>) src(%arg12 : memref<48xf32, #tpu.memory_space<vmem>>) dst(%dma_wait3A_59 : memref<48xf32, #tpu.memory_space<hbm>>)
    } else {
    }
    return
  }
}

</mosaic_0001>

<sc_bundles>
// kernel: kernel.3.cloned.1.call-start
scs
__scs_entry_jumppad:
0x0: {  	(pc) =	sbr.rel $0x88, $3  }
0x1: {  	(tag) =	ssettag $0x0;
	lr =	simm.s32 $0x1  }
0x2: {  	[smem:$0x3F9E] =	sst lr;
	_ =	strace $0xD0000000  }
0x3: {  	_ = 	snop  }
0x4: {  	_ = 	snop  }
0x5: {  	_ = 	snop  }
0x6: {  	_ = 	snop  }
0x7: {  	_ = 	snop  }
__scs_overlays_trampoline_lowered:
0x8: {  	[smem:$0x3FAD] =	sst s0  }
0x9: {  	[smem:$0x3FAE] =	sst s1  }
0xa: {  	[smem:$0x3FAF] =	sst s2  }
0xb: {  	[smem:$0x3FB0] =	sst s3  }
0xc: {  	[smem:$0x3FB1] =	sst s4  }
0xd: {  	[smem:$0x3FB2] =	sst s5  }
0xe: {  	[smem:$0x3FB3] =	sst s6  }
0xf: {  	[smem:$0x3FB4] =	sst s7  }
0x10: {  	[smem:$0x3FB5] =	sst s8  }
0x11: {  	[smem:$0x3FB6] =	sst s9;
	s0 =	simm.s32 @!p0 $0x0  }
0x12: {  	s1 =	sld [smem:$0x3F9C];
	s0 =	simm.s32 @p0 $0x1  }
0x13: {  	[smem:$0x3FB7] =	sst s0;
	s0 =	simm.s32 @!p1 $0x0  }
0x14: {  	s2 =	sld [smem:$0x3F9B];
	s0 =	simm.s32 @p1 $0x1  }
0x15: {  	[smem:$0x3FB8] =	sst s0;
	s0 =	simm.s32 @!p2 $0x0  }
0x16: {  	s3 =	sld [smem:$0x3FDB];
	s0 =	simm.s32 @p2 $0x1  }
0x17: {  	s4 =	simm.s32 $0x1BF5;
	[smem:$0x3FBA] =	sst s0  }
0x18: {  	s0 =	sld [smem:$0x3F9D];
	_ =	swait.ge [sflag:s4], $0x0  }
0x19: {  	s7 =	sld [smem:$0x3F9E]  }
0x1a: {  	s8 =	sadd.s32 $0xFFFFE003, lr  }
0x1b: {  	s9 =	sadd.s32 $0xFFFFFEF7, lr;
	s5 =	simm.s32 $0xFFFFFFFF;
	p2 =	slt.u32 s8, $0xFFFFF086  }
0x1c: {  	p1 =	slt.u32 s9, $0xF7A;
	s5 =	simm.s32 @!p2 $0x0  }
0x1d: {  	s5 =	simm.s32 @p1 $0x1;
	p0 =	seq.s32 s7, s2  }
0x1e: {  	s7 =	smul.u32 @!p0 $0xF7A, s2;
	p2 =	seq.s32 @!p0 s5, $0x0  }
0x1f: {  	s9 =	smul.u32 $0xF7A, s1;
	s8 =	simm.s32 @!p0 $0x1BF5;
	p2 =	por !p2, p0  }
0x20: {  	[sflag:s8] =	ssyncset.s32 @!p0 $0xFFFFF086;
	s6 =	sadd.s32 @!p0 s3, s7;
	s7 =	simm.s32 @!p0 $0x108  }
0x21: {  	s3 =	sadd.s32 s3, s9;
	s6 =	sadd.s32 @!p0 $0x88, s6;
	s7 =	simm.s32 @p2 $0x1082  }
0x22: {  	[simem:s7], [sflag:s8] =	dma.local @!p0 [hbm:s6], $0xF7A  }
0x23: {  	s9 =	sor.u32 $0xD0000000, s2;
	s6 =	simm.s32 $0x108;
	_ =	swait.ge @!p0 [sflag:s8], $0x0  }
0x24: {  	s3 =	sadd.s32 $0x88, s3;
	s6 =	simm.s32 @!p1 $0x1082;
	[sflag:s4] =	ssyncset.s32 $0xFFFFF086  }
0x25: {  	[simem:s6], [sflag:s4] =	dma.local [hbm:s3], $0xF7A  }
0x26: {  	[smem:$0x3F9E] =	sst s1;
	(tag) =	ssettag s2;
	_ =	strace s9  }
0x27: {  	s1 =	sld [smem:$0x3FAE]  }
0x28: {  	s2 =	sld [smem:$0x3FAF]  }
0x29: {  	s4 =	sld [smem:$0x3FB1]  }
0x2a: {  	p0 =	seq.s32 s5, $0x0;
	s5 =	sld [smem:$0x3FB2]  }
0x2b: {  	s6 =	sld [smem:$0x3FB3]  }
0x2c: {  	s7 =	sld [smem:$0x3FB4]  }
0x2d: {  	s3 =	simm.s32 $0x108;
	s8 =	sld [smem:$0x3FB5]  }
0x2e: {  	s3 =	simm.s32 @!p0 $0x1082;
	s9 =	sld [smem:$0x3FB6]  }
0x2f: {  	lr =	sadd.s32 s0, s3;
	s0 =	sld [smem:$0x3FAD]  }
0x30: {  	s3 =	sld [smem:$0x3FB0]  }
0x31: {  	[smem:$0x3FB9] =	sst s10  }
0x32: {  	s10 =	sld [smem:$0x3FB7];
	_ =	sdelay $0x3  }
0x33: {  	p0 =	seq.s32 s10, $0x1;
	s10 =	sld [smem:$0x3FB9];
	_ =	sdelay $0x3  }
0x34: {  	[smem:$0x3FB9] =	sst s10  }
0x35: {  	s10 =	sld [smem:$0x3FB8];
	_ =	sdelay $0x3  }
0x36: {  	p1 =	seq.s32 s10, $0x1;
	s10 =	sld [smem:$0x3FB9];
	_ =	sdelay $0x3  }
0x37: {  	[smem:$0x3FB9] =	sst s10  }
0x38: {  	s10 =	sld [smem:$0x3FBA]  }
0x39: {  	_ = 	snop;
	(pc) =	sbr.ind lr, $3  }
0x3a: {  	_ = 	snop  }
0x3b: {  	_ = 	snop  }
0x3c: {  	p2 =	seq.s32 s10, $0x1;
	s10 =	sld [smem:$0x3FB9]  }
0x3d: {  	_ =	shalt  }
0x3e: {  	_ =	shalt  }
0x3f: {  	_ =	shalt  }
0x40: {  	_ =	shalt  }
0x41: {  	_ =	shalt  }
0x42: {  	_ =	shalt  }
0x43: {  	_ =	shalt  }
0x44: {  	_ =	shalt  }
0x45: {  	_ =	shalt  }
0x46: {  	_ =	shalt  }
0x47: {  	_ =	shalt  }
0x48: {  	_ =	shalt  }
0x49: {  	_ =	shalt  }
0x4a: {  	_ =	shalt  }
0x4b: {  	_ =	shalt  }
0x4c: {  	_ =	shalt  }
0x4d: {  	_ =	shalt  }
0x4e: {  	_ =	shalt  }
0x4f: {  	_ =	shalt  }
0x50: {  	_ =	shalt  }
0x51: {  	_ =	shalt  }
0x52: {  	_ =	shalt  }
0x53: {  	_ =	shalt  }
0x54: {  	_ =	shalt  }
0x55: {  	_ =	shalt  }
0x56: {  	_ =	shalt  }
0x57: {  	_ =	shalt  }
0x58: {  	_ =	shalt  }
0x59: {  	_ =	shalt  }
0x5a: {  	_ =	shalt  }
0x5b: {  	_ =	shalt  }
0x5c: {  	_ =	shalt  }
0x5d: {  	_ =	shalt  }
0x5e: {  	_ =	shalt  }
0x5f: {  	_ =	shalt  }
0x60: {  	_ =	shalt  }
0x61: {  	_ =	shalt  }
0x62: {  	_ =	shalt  }
0x63: {  	_ =	shalt  }
0x64: {  	_ =	shalt  }
0x65: {  	_ =	shalt  }
0x66: {  	_ =	shalt  }
0x67: {  	_ =	shalt  }
0x68: {  	_ =	shalt  }
0x69: {  	_ =	shalt  }
0x6a: {  	_ =	shalt  }
0x6b: {  	_ =	shalt  }
0x6c: {  	_ =	shalt  }
0x6d: {  	_ =	shalt  }
0x6e: {  	_ =	shalt  }
0x6f: {  	_ =	shalt  }
0x70: {  	_ =	shalt  }
0x71: {  	_ =	shalt  }
0x72: {  	_ =	shalt  }
0x73: {  	_ =	shalt  }
0x74: {  	_ =	shalt  }
0x75: {  	_ =	shalt  }
0x76: {  	_ =	shalt  }
0x77: {  	_ =	shalt  }
0x78: {  	_ =	shalt  }
0x79: {  	_ =	shalt  }
0x7a: {  	_ =	shalt  }
0x7b: {  	_ =	shalt  }
0x7c: {  	_ =	shalt  }
0x7d: {  	_ =	shalt  }
0x7e: {  	_ =	shalt  }
0x7f: {  	_ =	shalt  }
0x80: {  	_ =	shalt  }
0x81: {  	_ =	shalt  }
0x82: {  	_ =	shalt  }
0x83: {  	_ =	shalt  }
0x84: {  	_ =	shalt  }
0x85: {  	_ =	shalt  }
0x86: {  	_ =	shalt  }
0x87: {  	_ =	shalt  }
.Lfunc_end0:
.L_simem_size_0:
called_computation_lowered:
.L_overlay_start_0:
0x88: {  	s2 =	sld [smem:$0x3FD9]  }
0x89: {  	s3 =	sld [smem:$0x3FFE];
	_ =	sdelay $0x1  }
0x8a: {  	s1 =	srdreg.scid  }
0x8b: {  	s0 =	sand.u32 $0x1, s1  }
0x8c: {  	s18 =	sshll.u32 s0, $0xA;
	s2 =	sadd.s32 s3, s2  }
0x8d: {  	s2 =	sadd.s32 s2, s18  }
0x8e: {  	[smem:$0x3FC5] =	sst s2  }
0x8f: {  	_ = 	snop  }
0x90: {  	s2 =	sld [smem:$0x3FC9]  }
0x91: {  	s19 =	sld [smem:$0x3FC8]  }
0x92: {  	s4 =	sld [smem:$0x3FC7]  }
0x93: {  	s5 =	sld [smem:$0x3FD0];
	(tm) =	ssettm $0x1  }
0x94: {  	s6 =	sld [smem:$0x3FFB];
	_ =	sdelay $0x3  }
0x95: {  	_ =	strace s6  }
0x96: {  	s6 =	sld [smem:$0x3FFC];
	_ =	sdelay $0x3  }
0x97: {  	_ =	strace s6  }
0x98: {  	s6 =	sld [smem:$0x3FFD];
	_ =	sdelay $0x3  }
0x99: {  	_ =	strace s6  }
0x9a: {  	_ =	strace $0x8FFFFFFF  }
0x9b: {  	s20 =	sld [smem:$0x3FDB];
	_ =	sdelay $0x1  }
0x9c: {  	s7 =	simm.s32 $_scs_section_size  }
0x9d: {  	s8 =	simm.s32 $_size__tile_overlayer_lowered;
	s9 =	simm.s32 $_tile_overlayer_lowered  }
0x9e: {  	s23 =	simm.s32 $0x1BFF;
	s22 =	sshll.u32 s9, $0x1;
	s6 =	sadd.s32 s7, s20  }
0x9f: {  	s10 =	simm.s32 $0x0;
	s21 =	sshll.u32 s8, $0x1;
	s8 =	sadd.s32 s22, s6  }
0xa0: {  	[timem:s10], [sflag:s23] =	dma.local [hbm:s8], s21  }
0xa1: {  	_ =	swait.ge [sflag:s23], s21  }
0xa2: {  	s7 =	ssub.s32 $0x0, s21;
	[sflag:s23] =	ssyncset.done $0x0  }
0xa3: {  	[sflag:s23] =	ssyncadd.s32 s7;
	_ =	sdelay $0x1  }
0xa4: {  	s24 =	simm.s32 $0x1B8B  }
0xa5: {  	_ =	swait.ge [sflag:s24], $0x1  }
0xa6: {  	[sflag:s24] =	ssyncset.done $0x0  }
0xa7: {  	s25 =	simm.s32 $0x1B8E;
	[sflag:s24] =	ssyncadd.s32 $0xFFFFFFFF  }
0xa8: {  	s26 =	simm.s32 $execute0_lowered;
	[smem:$0x3FD2] =	sst s25  }
0xa9: {  	s7 =	sshll.u32 s26, $0x1;
	_ =	strace $0x80000046;
	[dreg:$0x1] =	wrdreg $0xFFFFFFFF  }
0xaa: {  	s28 =	simm.s32 $_size_execute0_lowered;
	s6 =	sadd.s32 s6, s7;
	[dreg:$0x0] =	wrdreg $0x0  }
0xab: {  	s7 =	sshll.u32 s28, $0x1;
	[dreg:$0x2] =	wrdreg s6  }
0xac: {  	[dreg:$0x3] =	wrdreg s7  }
0xad: {  	[dreg:$0x4] =	wrdreg $0xC0  }
0xae: {  	_ =	task [dreg:s10], $0x5FFFF  }
0xaf: {  	[dreg:$0x1] =	wrdreg $0xFFFFFFFF  }
0xb0: {  	[dreg:$0x0] =	wrdreg $0x60  }
0xb1: {  	[dreg:$0x2] =	wrdreg s2  }
0xb2: {  	[dreg:$0x3] =	wrdreg s19  }
0xb3: {  	[dreg:$0x4] =	wrdreg s4  }
0xb4: {  	[dreg:$0x5] =	wrdreg s5  }
0xb5: {  	[dreg:$0x6] =	wrdreg $0x9  }
0xb6: {  	_ =	task.clear_ibuf [dreg:s10], $0x7FFFF;
	_ =	strace $0x90000046  }
0xb7: {  	s29 =	simm.s32 $0x9;
	_ =	strace $0x80000048  }
0xb8: {  	_ =	swait.ge [sflag:s29], $0x1  }
0xb9: {  	[sflag:s29] =	ssyncadd.s32 $0xFFFFFFFF  }
0xba: {  	_ =	strace $0x90000048  }
0xbb: {  	_ =	sfence  }
0xbc: {  	s30 =	sld [smem:$0x0];
	_ =	sdelay $0x2  }
0xbd: {  	s31 =	sshll.u32 s1, $0xD;
	s1 =	sshrl.u32 s1, $0x2  }
0xbe: {  	s3 =	sand.u32 $0x4000, s31;
	s1 =	sadd.s32 s1, s30  }
0xbf: {  	s0 =	sor.u32 s3, s0;
	s1 =	sshll.u32 s1, $0x11  }
0xc0: {  	s0 =	sor.u32 s1, s0  }
0xc1: {  	s0 =	sadd.s32 $0x8F2B, s0  }
0xc2: {  	[sflag:s0] =	ssyncadd.remote.s32 $0x1  }
0xc3: {  	_ =	sfence.sel $0xFFFF  }
0xc4: {  	[dreg:$0x0] =	wrdreg $0xFFFFFFFF;
	(pc) =	sbr.abs _section_cstart, $3  }
0xc5: {  	[dreg:$0x1] =	wrdreg $0xFFFFFFFF  }
0xc6: {  	_ =	task.clear_ibuf [dreg:s10], $0x2FFFF;
	_ =	strace $0x9FFFFFFF  }
0xc7: {  	(tm) =	ssettm $0x7FFFFFFF  }
tec
execute0_lowered:
.L_overlay_start_1:
0x0: {  	(tag) =	ssettag $0x1  }
0x1: {  	v0 =	vimm.s32 $0xFEDCBA98;
	v1 =	vimm.s32 $0x76543210  }
0x2: {  	s2 =	rddreg [dreg:$0x1];
	v2 =	vimm.s32 $0xBA98FEDC;
	v3 =	vimm.s32 $0x32107654;
	v4 =	vimm.s32 $0xDCFE98BA  }
0x3: {  	s0 =	srdreg.scid;
	s3 =	rddreg [dreg:$0x2];
	v5 =	vimm.s32 $0x54761032;
	v6 =	vimm.s32 $0xEFCDAB89;
	v7 =	vimm.s32 $0x67452301  }
0x4: {  	s1 =	stileid.u32;
	s6 =	rddreg [dreg:$0x3];
	s7 =	simm.s32 $0x0;
	v0 =	vunpack.c.l.s4.s8 v0;
	v1 =	vunpack.c.l.s4.s8 v1;
	v2 =	vunpack.c.l.s4.s8 v2  }
0x5: {  	s12 =	simm.s32 $0x7;
	s15 =	simm.s32 $0x1;
	s16 =	simm.s32 $0x3;
	v3 =	vunpack.c.l.s4.s8 v3;
	v4 =	vunpack.c.l.s4.s8 v4;
	v5 =	vunpack.c.l.s4.s8 v5  }
0x6: {  	s17 =	simm.s32 $0x1E700;
	s18 =	simm.s32 $0x2;
	s19 =	simm.s32 $0x4;
	v6 =	vunpack.c.l.s4.s8 v6;
	v7 =	vunpack.c.l.s4.s8 v7;
	v0 =	vunpack.c.0.s8.s32 v0  }
0x7: {  	s20 =	simm.s32 $0x1E780;
	s21 =	simm.s32 $0x5;
	s22 =	simm.s32 $0x6;
	v2 =	vunpack.c.0.s8.s32 v2;
	v3 =	vunpack.c.0.s8.s32 v3;
	v4 =	vunpack.c.0.s8.s32 v4  }
.Ltmp0:
0x8: {  	s0 =	sand.u32 $0x1, s0;
	s1 =	sshll.u32 s1, $0x1;
	v5 =	vunpack.c.0.s8.s32 v5;
	v6 =	vunpack.c.0.s8.s32 v6;
	v7 =	vunpack.c.0.s8.s32 v7;
	(pc) =	sbr.rel .LBB2_1-.Ltmp0, $4  }
0x9: {  	s23 =	simm.s32 $0x0;
	s4 =	sor.u32 s0, s1;
	s0 =	ssub.s32 $0x2, s0;
	v1 =	vunpack.c.0.s8.s32 v1;
	v2 =	vcombine.low v3, v2  }
0xa: {  	[smem:$0x7FF] =	sst s7;
	s1 =	smul.u32 $0x300, s4;
	s5 =	sshrl.u32 s0, $0x1;
	v3 =	vcombine.low v5, v4;
	v4 =	vcombine.low v7, v6;
	v0 =	vand.u32 $0xF, v0  }
0xb: {  	_ =	strace $0x80000047;
	s10 =	sor.u32 $0x40, s4;
	s0 =	ssub.s32 s0, s5;
	v0 =	vcombine.low v0, v1;
	v1 =	vand.u32 $0xF, v2  }
0xc: {  	s8 =	sadd.s32 s3, s1;
	s9 =	sadd.s32 s2, s1;
	s11 =	smax.u32 s0, $0x1;
	v2 =	vand.u32 $0xF, v3;
	v3 =	vand.u32 $0xF, v4;
	v4 =	vlaneseq.u32  }
.LBB2_13:
0xd: {  	s23 =	sadd.s32 $0x1, s23  }
0xe: {  	_ =	swait.ge [sflag:s21], $0x30;
	p0 =	sne.s32 s23, s11  }
.Ltmp1:
0xf: {  	[sflag:s21] =	ssyncset.done $0x0;
	(pc) =	sbr.rel @!p0 .LBB2_14-.Ltmp1, $4  }
0x10: {  	[sflag:s21] =	ssyncadd.s32 $0xFFFFFFD0  }
0x11: {  	_ =	swait.ge [sflag:s22], $0x30  }
0x12: {  	[sflag:s22] =	ssyncset.done $0x0  }
0x13: {  	[sflag:s22] =	ssyncadd.s32 $0xFFFFFFD0  }
.LBB2_1:
0x14: {  	s0 =	rddreg [dreg:$0x0]  }
0x15: {  	[tilespmem:s7], [sflag:$0x7] =	stream.linear.gather [hbm4b:s0+s7], $0x18700, $0x38;
	[tilespmem:$0x1E800] =	vst v63  }
0x16: {  	_ =	swait.ge [sflag:s12], $0x18700  }
.Ltmp2:
0x17: {  	[sflag:s12] =	ssyncset.done $0x0;
	(pc) =	sbr.rel .LBB2_2-.Ltmp2, $4  }
0x18: {  	s30 =	simm.s32 $0x18700;
	[sflag:s12] =	ssyncadd.s32 $0xFFFE7900  }
0x19: {  	[tilespmem:s30], [sflag:$0x1] =	stream.linear.gather [hbm4b:s8+s7], $0x1800, $0x38;
	[tilespmem:$0x1E800] =	vst v63  }
0x1a: {  	s31 =	simm.s32 $0x1B700;
	s24 =	simm.s32 $0x0  }
0x1b: {  	[tilespmem:s31], [sflag:$0x3] =	stream.linear.gather [hbm4b:s9+s7], $0x1800, $0x38;
	[tilespmem:$0x1E800] =	vst v63  }
.LBB2_12:
0x1c: {  	s24 =	sadd.s32 $0x1, s24  }
0x1d: {  	p0 =	sne.s32 s24, $0x21  }
.Ltmp3:
0x1e: {  	_ = 	snop;
	(pc) =	sbr.rel @!p0 .LBB2_13-.Ltmp3, $1  }
0x1f: {  	_ =	sdelay $0x3  }
.LBB2_2:
0x20: {  	s26 =	sshll.u32 s24, $0x6  }
0x21: {  	s28 =	sor.u32 s4, s26  }
0x22: {  	s25 =	sor.u32 $0x20, s28  }
0x23: {  	p1 =	sgt.u32 s25, $0x823  }
0x24: {  	s0 =	smul.u32 @!p1 $0x30, s25;
	_ =	sdelay $0x1  }
0x25: {  	s0 =	smin.u32 @!p1 s0, $0x18670  }
0x26: {  	s0 =	sshll.u32 @!p1 s0, $0x4  }
0x27: {  	s5 =	simm.s32 @!p1 $0x0;
	s13 =	simm.s32 @!p1 $0x19F00;
	s1 =	sadd.s32 @!p1 s3, s0  }
0x28: {  	[tilespmem:s13], [sflag:$0x2] =	stream.linear.gather @!p1 [hbm4b:s1+s5], $0x1800, $0x38;
	[tilespmem:$0x1E800] =	vst v63  }
0x29: {  	s0 =	sadd.s32 @!p1 s2, s0;
	s1 =	simm.s32 @!p1 $0x1CF00  }
0x2a: {  	[tilespmem:s1], [sflag:$0x4] =	stream.linear.gather @!p1 [hbm4b:s0+s5], $0x1800, $0x38;
	[tilespmem:$0x1E800] =	vst v63  }
0x2b: {  	_ =	swait.ge [sflag:s15], $0x1800  }
0x2c: {  	[sflag:s15] =	ssyncset.done $0x0  }
0x2d: {  	[sflag:s15] =	ssyncadd.s32 $0xFFFFE800  }
0x2e: {  	_ =	swait.ge [sflag:s16], $0x1800  }
0x2f: {  	p0 =	seq.s32 s24, $0x0;
	[sflag:s16] =	ssyncset.done $0x0  }
0x30: {  	s0 =	simm.s32 @!p0 $0x5;
	[sflag:s16] =	ssyncadd.s32 $0xFFFFE800  }
0x31: {  	_ =	swait.ge @!p0 [sflag:s0], $0x30  }
0x32: {  	s29 =	simm.s32 $0x0;
	[sflag:s0] =	ssyncset.done @!p0 $0x0  }
0x33: {  	s13 =	simm.s32 $0x18780;
	[sflag:s0] =	ssyncadd.s32 @!p0 $0xFFFFFFD0;
	s0 =	simm.s32 $0x1B780  }
.LBB2_3:
0x34: {  	v6 =	vld [tilespmem:s0+$0x0]  }
0x35: {  	v7 =	vld [tilespmem:s0+$0x10]  }
0x36: {  	v8 =	vld [tilespmem:s0+$0x20]  }
0x37: {  	v9 =	vld [tilespmem:s0+$0x30]  }
0x38: {  	v10 =	vld [tilespmem:s0+$0x40]  }
0x39: {  	v12 =	vld [tilespmem:s0+$0x50]  }
0x3a: {  	v11 =	vld [tilespmem:s0+$0x60]  }
0x3b: {  	v16 =	vld [tilespmem:s0+$0xFFFFFF80]  }
0x3c: {  	v13 =	vld [tilespmem:s0+$0xFFFFFF90]  }
0x3d: {  	v14 =	vld [tilespmem:s0+$0xFFFFFFA0]  }
0x3e: {  	v15 =	vld [tilespmem:s0+$0xFFFFFFB0]  }
0x3f: {  	v17 =	vld [tilespmem:s0+$0xFFFFFFC0]  }
0x40: {  	v18 =	vld [tilespmem:s0+$0xFFFFFFD0]  }
0x41: {  	v19 =	vld [tilespmem:s0+$0xFFFFFFE0]  }
0x42: {  	v20 =	vld [tilespmem:s0+$0xFFFFFFF0]  }
0x43: {  	v5 =	vld [tilespmem:s13+$0x0]  }
0x44: {  	v30 =	vld [tilespmem:s13+$0x10]  }
0x45: {  	v31 =	vld [tilespmem:s13+$0x20]  }
0x46: {  	v33 =	vld [tilespmem:s13+$0x30]  }
0x47: {  	v34 =	vld [tilespmem:s13+$0x40]  }
0x48: {  	v36 =	vld [tilespmem:s13+$0x50]  }
0x49: {  	v37 =	vld [tilespmem:s13+$0x60]  }
0x4a: {  	v21 =	vld [tilespmem:s13+$0x70]  }
0x4b: {  	v22 =	vld [tilespmem:s13+$0xFFFFFF80]  }
0x4c: {  	v23 =	vld [tilespmem:s13+$0xFFFFFF90]  }
0x4d: {  	v24 =	vld [tilespmem:s13+$0xFFFFFFA0]  }
0x4e: {  	v25 =	vld [tilespmem:s13+$0xFFFFFFB0]  }
0x4f: {  	v27 =	vld [tilespmem:s13+$0xFFFFFFC0]  }
0x50: {  	v28 =	vld [tilespmem:s13+$0xFFFFFFD0]  }
0x51: {  	v29 =	vld [tilespmem:s13+$0xFFFFFFE0]  }
0x52: {  	v26 =	vld [tilespmem:s13+$0xFFFFFFF0]  }
0x53: {  	v32 =	vld.idx.msk [tilespmem:v5+s7+$0x0], $0xffff  }
0x54: {  	v35 =	vld.idx.msk [tilespmem:v30+s7+$0x0], $0xffff  }
0x55: {  	v31 =	vld.idx.msk [tilespmem:v31+s7+$0x0], $0xffff  }
0x56: {  	v33 =	vld.idx.msk [tilespmem:v33+s7+$0x0], $0xffff  }
0x57: {  	v34 =	vld.idx.msk [tilespmem:v34+s7+$0x0], $0xffff  }
0x58: {  	s1 =	simm.s32 $0x2;
	v36 =	vld.idx.msk [tilespmem:v36+s7+$0x0], $0xffff  }
0x59: {  	s30 =	smov.u32 s0;
	s31 =	smov.u32 s13;
	s5 =	simm.s32 $0x0;
	v5 =	vimm.f32 $0.0e+00;
	v30 =	vld.idx.msk [tilespmem:v37+s7+$0x0], $0xffff  }
.LBB2_4:
0x5a: {  	p2 =	sne.s32 s1, $0xE;
	v22 =	vld.idx.msk [tilespmem:v22+s7+$0x0], $0xffff  }
0x5b: {  	v23 =	vld.idx.msk [tilespmem:v23+s7+$0x0], $0xffff  }
0x5c: {  	v24 =	vld.idx.msk [tilespmem:v24+s7+$0x0], $0xffff  }
0x5d: {  	v25 =	vld.idx.msk [tilespmem:v25+s7+$0x0], $0xffff  }
0x5e: {  	v27 =	vld.idx.msk [tilespmem:v27+s7+$0x0], $0xffff  }
0x5f: {  	v28 =	vld.idx.msk [tilespmem:v28+s7+$0x0], $0xffff  }
0x60: {  	v32 =	vmul.f32 v6, v32;
	v35 =	vmul.f32 v7, v35;
	v29 =	vld.idx.msk [tilespmem:v29+s7+$0x0], $0xffff  }
0x61: {  	v31 =	vmul.f32 v8, v31;
	v33 =	vmul.f32 v9, v33;
	v26 =	vld.idx.msk [tilespmem:v26+s7+$0x0], $0xffff  }
0x62: {  	v34 =	vmul.f32 v10, v34;
	v36 =	vmul.f32 v12, v36;
	v12 =	vld.idx.msk [tilespmem:v21+s7+$0x0], $0xffff  }
0x63: {  	v16 =	vmul.f32 v16, v22;
	v21 =	vmul.f32 v11, v30;
	v11 =	vld [tilespmem:s30+$0x70];
	s30 =	sadd.s32 $0x100, s30  }
0x64: {  	v13 =	vmul.f32 v13, v23;
	v14 =	vmul.f32 v14, v24;
	v6 =	vld [tilespmem:s30+$0x0]  }
0x65: {  	v15 =	vmul.f32 v15, v25;
	v17 =	vmul.f32 v17, v27;
	v7 =	vld [tilespmem:s30+$0x10]  }
0x66: {  	v18 =	vmul.f32 v18, v28;
	v19 =	vmul.f32 v19, v29;
	v8 =	vld [tilespmem:s30+$0x20]  }
0x67: {  	v22 =	vadd.f32 v35, v32;
	v23 =	vadd.f32 v33, v31;
	v20 =	vmul.f32 v20, v26;
	v9 =	vld [tilespmem:s30+$0x30]  }
0x68: {  	v13 =	vadd.f32 v13, v16;
	v14 =	vadd.f32 v15, v14;
	v10 =	vld [tilespmem:s30+$0x40];
	v15 =	vmul.f32 v11, v12  }
0x69: {  	v17 =	vadd.f32 v18, v17;
	v18 =	vadd.f32 v20, v19;
	v12 =	vld [tilespmem:s30+$0x50]  }
0x6a: {  	v19 =	vadd.f32 v36, v34;
	v11 =	vld [tilespmem:s30+$0x60];
	v15 =	vadd.f32 v15, v21  }
0x6b: {  	v20 =	vadd.f32 v14, v13;
	v17 =	vadd.f32 v18, v17;
	v16 =	vld [tilespmem:s30+$0xFFFFFF80]  }
0x6c: {  	v18 =	vadd.f32 v23, v22;
	v13 =	vld [tilespmem:s30+$0xFFFFFF90];
	v19 =	vadd.f32 v15, v19  }
0x6d: {  	v20 =	vadd.f32 v17, v20;
	v14 =	vld [tilespmem:s30+$0xFFFFFFA0]  }
0x6e: {  	v15 =	vld [tilespmem:s30+$0xFFFFFFB0];
	v21 =	vadd.f32 v19, v18  }
0x6f: {  	v22 =	vperm.xlane v20, v0;
	v17 =	vld [tilespmem:s30+$0xFFFFFFC0]  }
0x70: {  	v18 =	vld [tilespmem:s30+$0xFFFFFFD0];
	v23 =	vperm.xlane v21, v0  }
0x71: {  	v22 =	vadd.f32 v20, v22;
	v19 =	vld [tilespmem:s30+$0xFFFFFFE0]  }
0x72: {  	s31 =	sadd.s32 $0x100, s31;
	v20 =	vld [tilespmem:s30+$0xFFFFFFF0];
	v21 =	vadd.f32 v21, v23  }
0x73: {  	v23 =	vperm.xlane v22, v1;
	v30 =	vld [tilespmem:s31+$0x0]  }
0x74: {  	v31 =	vld [tilespmem:s31+$0x10];
	v24 =	vperm.xlane v21, v1  }
0x75: {  	v22 =	vadd.f32 v22, v23;
	v33 =	vld [tilespmem:s31+$0x20]  }
0x76: {  	v34 =	vld [tilespmem:s31+$0x30];
	v23 =	vadd.f32 v21, v24  }
0x77: {  	v21 =	vperm.xlane v22, v2;
	v36 =	vld [tilespmem:s31+$0x40]  }
0x78: {  	v37 =	vld [tilespmem:s31+$0x50];
	v24 =	vperm.xlane v23, v2  }
0x79: {  	v25 =	vadd.f32 v22, v21;
	v38 =	vld [tilespmem:s31+$0x60]  }
0x7a: {  	v21 =	vld [tilespmem:s31+$0x70];
	v26 =	vadd.f32 v23, v24  }
0x7b: {  	v27 =	vperm.xlane v25, v3;
	v22 =	vld [tilespmem:s31+$0xFFFFFF80]  }
0x7c: {  	v23 =	vld [tilespmem:s31+$0xFFFFFF90];
	v28 =	vperm.xlane v26, v3  }
0x7d: {  	s14 =	sadd.s32 $0x1, s5;
	v29 =	vadd.f32 v25, v27;
	v27 =	vmov s5;
	s5 =	smov.u32 s1;
	v24 =	vld [tilespmem:s31+$0xFFFFFFA0]  }
0x7e: {  	vm0 =	veq.s32 v27, v4;
	v25 =	vld [tilespmem:s31+$0xFFFFFFB0];
	v26 =	vadd.f32 v26, v28;
	v28 =	vmov s14  }
0x7f: {  	v5 =	vsel vm0, v29, v5;
	v27 =	vld [tilespmem:s31+$0xFFFFFFC0];
	vm0 =	veq.s32 v28, v4  }
0x80: {  	v28 =	vld [tilespmem:s31+$0xFFFFFFD0];
	v5 =	vsel vm0, v26, v5  }
0x81: {  	v29 =	vld [tilespmem:s31+$0xFFFFFFE0]  }
0x82: {  	v26 =	vld [tilespmem:s31+$0xFFFFFFF0]  }
0x83: {  	v32 =	vld.idx.msk [tilespmem:v30+s7+$0x0], $0xffff  }
0x84: {  	v35 =	vld.idx.msk [tilespmem:v31+s7+$0x0], $0xffff  }
.Ltmp4:
0x85: {  	v31 =	vld.idx.msk [tilespmem:v33+s7+$0x0], $0xffff;
	(pc) =	sbr.rel @p2 .LBB2_4-.Ltmp4, $4  }
0x86: {  	v33 =	vld.idx.msk [tilespmem:v34+s7+$0x0], $0xffff  }
0x87: {  	v34 =	vld.idx.msk [tilespmem:v36+s7+$0x0], $0xffff  }
0x88: {  	v36 =	vld.idx.msk [tilespmem:v37+s7+$0x0], $0xffff  }
0x89: {  	s1 =	sadd.s32 $0x2, s1;
	v30 =	vld.idx.msk [tilespmem:v38+s7+$0x0], $0xffff  }
0x8a: {  	_ =	sdelay $0x3  }
0x8b: {  	v22 =	vld.idx.msk [tilespmem:v22+s7+$0x0], $0xffff  }
0x8c: {  	v23 =	vld.idx.msk [tilespmem:v23+s7+$0x0], $0xffff  }
0x8d: {  	v24 =	vld.idx.msk [tilespmem:v24+s7+$0x0], $0xffff  }
0x8e: {  	v25 =	vld.idx.msk [tilespmem:v25+s7+$0x0], $0xffff  }
0x8f: {  	v27 =	vld.idx.msk [tilespmem:v27+s7+$0x0], $0xffff  }
0x90: {  	v28 =	vld.idx.msk [tilespmem:v28+s7+$0x0], $0xffff  }
0x91: {  	v29 =	vld.idx.msk [tilespmem:v29+s7+$0x0], $0xffff;
	v6 =	vmul.f32 v6, v32  }
0x92: {  	v7 =	vmul.f32 v7, v35;
	v26 =	vld.idx.msk [tilespmem:v26+s7+$0x0], $0xffff;
	v8 =	vmul.f32 v8, v31  }
0x93: {  	v21 =	vld.idx.msk [tilespmem:v21+s7+$0x0], $0xffff;
	v9 =	vmul.f32 v9, v33;
	v10 =	vmul.f32 v10, v34  }
0x94: {  	v54 =	vld [tilespmem:s30+$0x70];
	v12 =	vmul.f32 v12, v36;
	v11 =	vmul.f32 v11, v30  }
0x95: {  	v16 =	vmul.f32 v16, v22;
	v13 =	vmul.f32 v13, v23  }
0x96: {  	v14 =	vmul.f32 v14, v24;
	v15 =	vmul.f32 v15, v25  }
0x97: {  	v6 =	vadd.f32 v7, v6;
	v17 =	vmul.f32 v17, v27;
	v18 =	vmul.f32 v18, v28  }
0x98: {  	v7 =	vadd.f32 v9, v8;
	v19 =	vmul.f32 v19, v29;
	v20 =	vmul.f32 v20, v26  }
0x99: {  	v57 =	vmul.f32 v54, v21;
	v55 =	vadd.f32 v13, v16;
	v56 =	vadd.f32 v15, v14  }
0x9a: {  	v58 =	vadd.f32 v18, v17;
	v59 =	vadd.f32 v20, v19  }
0x9b: {  	v10 =	vadd.f32 v12, v10;
	v11 =	vadd.f32 v57, v11  }
0x9c: {  	v8 =	vadd.f32 v56, v55;
	v60 =	vadd.f32 v59, v58  }
0x9d: {  	v6 =	vadd.f32 v7, v6;
	v7 =	vadd.f32 v11, v10  }
0x9e: {  	v8 =	vadd.f32 v60, v8  }
0x9f: {  	v6 =	vadd.f32 v7, v6  }
0xa0: {  	v7 =	vperm.xlane v8, v0  }
0xa1: {  	v61 =	vperm.xlane v6, v0  }
0xa2: {  	v7 =	vadd.f32 v8, v7  }
0xa3: {  	v6 =	vadd.f32 v6, v61  }
0xa4: {  	v8 =	vperm.xlane v7, v1  }
0xa5: {  	v9 =	vperm.xlane v6, v1  }
0xa6: {  	v7 =	vadd.f32 v7, v8  }
0xa7: {  	v6 =	vadd.f32 v6, v9  }
0xa8: {  	v8 =	vperm.xlane v7, v2  }
0xa9: {  	v9 =	vperm.xlane v6, v2  }
0xaa: {  	v7 =	vadd.f32 v7, v8  }
0xab: {  	v6 =	vadd.f32 v6, v9  }
0xac: {  	v8 =	vperm.xlane v7, v3  }
0xad: {  	v9 =	vperm.xlane v6, v3  }
0xae: {  	v62 =	vmov s5;
	s1 =	sadd.s32 $0x1, s5;
	v7 =	vadd.f32 v7, v8  }
0xaf: {  	vm0 =	veq.s32 v62, v4;
	v63 =	vmov s1;
	v6 =	vadd.f32 v6, v9  }
0xb0: {  	vm15 =	veq.s32 v63, v4;
	v5 =	vsel vm0, v7, v5  }
0xb1: {  	v5 =	vsel vm15, v6, v5  }
0xb2: {  	v5 =	vsub.f32 $0.0e+00, v5;
	_ =	sdelay $0x1  }
0xb3: {  	v5 =	vmul.f32 $1.442695020e+00, v5;
	_ =	sdelay $0x1  }
0xb4: {  	(erf) = vpow2.f32 v5;
	_ =	sdelay $0x5  }
0xb5: {  	s31 =	sshll.u32 s29, $0x4;
	s29 =	sadd.s32 $0x1, s29  }
0xb6: {  	p2 =	sne.s32 s29, $0x3  }
.Ltmp5:
0xb7: {  	_ = 	snop;
	(pc) =	sbr.rel @p2 .LBB2_3-.Ltmp5, $4  }
0xb8: {  	v5 =	vpop (erf)  }
0xb9: {  	v5 =	vsub.f32 $1.000000000e+00, v5  }
0xba: {  	s1 =	sand.u32 $0x3FFFFFF0, s31  }
0xbb: {  	s0 =	sadd.s32 $0x800, s0;
	s13 =	sadd.s32 $0x800, s13;
	[tilespmem:s1+$0x1E700] =	vst v5  }
.Ltmp6:
0xbc: {  	(pc) =	sbr.rel @p1 .LBB2_12-.Ltmp6, $3  }
0xbd: {  	s0 =	smul.u32 $0x6, s28;
	_ =	sdelay $0x1  }
0xbe: {  	s0 =	sadd.s32 s6, s0  }
0xbf: {  	[hbm4b:s0+s7] =	stream.linear.scatter [tilespmem:s17], [sflag:$0x5], $0x30, $0x38;
	[tilespmem:$0x1E800] =	vst v63  }
0xc0: {  	s0 =	sadd.s32 s10, s26  }
0xc1: {  	p1 =	sgt.u32 s0, $0x823  }
0xc2: {  	s0 =	smul.u32 @!p1 $0x30, s0;
	_ =	sdelay $0x1  }
0xc3: {  	s0 =	smin.u32 @!p1 s0, $0x18670  }
0xc4: {  	s0 =	sshll.u32 @!p1 s0, $0x4  }
0xc5: {  	s5 =	simm.s32 @!p1 $0x0;
	s13 =	simm.s32 @!p1 $0x18700;
	s1 =	sadd.s32 @!p1 s3, s0  }
0xc6: {  	[tilespmem:s13], [sflag:$0x1] =	stream.linear.gather @!p1 [hbm4b:s1+s5], $0x1800, $0x38;
	[tilespmem:$0x1E800] =	vst v63  }
0xc7: {  	s0 =	sadd.s32 @!p1 s2, s0;
	s1 =	simm.s32 @!p1 $0x1B700  }
0xc8: {  	[tilespmem:s1], [sflag:$0x3] =	stream.linear.gather @!p1 [hbm4b:s0+s5], $0x1800, $0x38;
	[tilespmem:$0x1E800] =	vst v63  }
0xc9: {  	_ =	swait.ge [sflag:s18], $0x1800  }
0xca: {  	[sflag:s18] =	ssyncset.done $0x0  }
0xcb: {  	[sflag:s18] =	ssyncadd.s32 $0xFFFFE800  }
0xcc: {  	_ =	swait.ge [sflag:s19], $0x1800  }
0xcd: {  	[sflag:s19] =	ssyncset.done $0x0  }
0xce: {  	s0 =	simm.s32 @!p0 $0x6;
	[sflag:s19] =	ssyncadd.s32 $0xFFFFE800  }
0xcf: {  	_ =	swait.ge @!p0 [sflag:s0], $0x30  }
0xd0: {  	s26 =	simm.s32 $0x0;
	[sflag:s0] =	ssyncset.done @!p0 $0x0  }
0xd1: {  	s28 =	simm.s32 $0x1CF80;
	s29 =	simm.s32 $0x19F80;
	[sflag:s0] =	ssyncadd.s32 @!p0 $0xFFFFFFD0  }
.LBB2_8:
0xd2: {  	v6 =	vld [tilespmem:s28+$0x0]  }
0xd3: {  	v7 =	vld [tilespmem:s28+$0x10]  }
0xd4: {  	v8 =	vld [tilespmem:s28+$0x20]  }
0xd5: {  	v9 =	vld [tilespmem:s28+$0x30]  }
0xd6: {  	v10 =	vld [tilespmem:s28+$0x40]  }
0xd7: {  	v12 =	vld [tilespmem:s28+$0x50]  }
0xd8: {  	v11 =	vld [tilespmem:s28+$0x60]  }
0xd9: {  	v16 =	vld [tilespmem:s28+$0xFFFFFF80]  }
0xda: {  	v13 =	vld [tilespmem:s28+$0xFFFFFF90]  }
0xdb: {  	v14 =	vld [tilespmem:s28+$0xFFFFFFA0]  }
0xdc: {  	v15 =	vld [tilespmem:s28+$0xFFFFFFB0]  }
0xdd: {  	v17 =	vld [tilespmem:s28+$0xFFFFFFC0]  }
0xde: {  	v18 =	vld [tilespmem:s28+$0xFFFFFFD0]  }
0xdf: {  	v19 =	vld [tilespmem:s28+$0xFFFFFFE0]  }
0xe0: {  	v20 =	vld [tilespmem:s28+$0xFFFFFFF0]  }
0xe1: {  	v5 =	vld [tilespmem:s29+$0x0]  }
0xe2: {  	v30 =	vld [tilespmem:s29+$0x10]  }
0xe3: {  	v31 =	vld [tilespmem:s29+$0x20]  }
0xe4: {  	v33 =	vld [tilespmem:s29+$0x30]  }
0xe5: {  	v34 =	vld [tilespmem:s29+$0x40]  }
0xe6: {  	v36 =	vld [tilespmem:s29+$0x50]  }
0xe7: {  	v37 =	vld [tilespmem:s29+$0x60]  }
0xe8: {  	v21 =	vld [tilespmem:s29+$0x70]  }
0xe9: {  	v22 =	vld [tilespmem:s29+$0xFFFFFF80]  }
0xea: {  	v23 =	vld [tilespmem:s29+$0xFFFFFF90]  }
0xeb: {  	v24 =	vld [tilespmem:s29+$0xFFFFFFA0]  }
0xec: {  	v25 =	vld [tilespmem:s29+$0xFFFFFFB0]  }
0xed: {  	v27 =	vld [tilespmem:s29+$0xFFFFFFC0]  }
0xee: {  	v28 =	vld [tilespmem:s29+$0xFFFFFFD0]  }
0xef: {  	v29 =	vld [tilespmem:s29+$0xFFFFFFE0]  }
0xf0: {  	v26 =	vld [tilespmem:s29+$0xFFFFFFF0]  }
0xf1: {  	v32 =	vld.idx.msk [tilespmem:v5+s7+$0x0], $0xffff  }
0xf2: {  	v35 =	vld.idx.msk [tilespmem:v30+s7+$0x0], $0xffff  }
0xf3: {  	v31 =	vld.idx.msk [tilespmem:v31+s7+$0x0], $0xffff  }
0xf4: {  	v33 =	vld.idx.msk [tilespmem:v33+s7+$0x0], $0xffff  }
0xf5: {  	v34 =	vld.idx.msk [tilespmem:v34+s7+$0x0], $0xffff  }
0xf6: {  	s1 =	simm.s32 $0x2;
	v36 =	vld.idx.msk [tilespmem:v36+s7+$0x0], $0xffff  }
0xf7: {  	s0 =	smov.u32 s28;
	s13 =	smov.u32 s29;
	s5 =	simm.s32 $0x0;
	v5 =	vimm.f32 $0.0e+00;
	v30 =	vld.idx.msk [tilespmem:v37+s7+$0x0], $0xffff  }
.LBB2_9:
0xf8: {  	p0 =	sne.s32 s1, $0xE;
	v22 =	vld.idx.msk [tilespmem:v22+s7+$0x0], $0xffff  }
0xf9: {  	v23 =	vld.idx.msk [tilespmem:v23+s7+$0x0], $0xffff  }
0xfa: {  	v24 =	vld.idx.msk [tilespmem:v24+s7+$0x0], $0xffff  }
0xfb: {  	v25 =	vld.idx.msk [tilespmem:v25+s7+$0x0], $0xffff  }
0xfc: {  	v27 =	vld.idx.msk [tilespmem:v27+s7+$0x0], $0xffff  }
0xfd: {  	v28 =	vld.idx.msk [tilespmem:v28+s7+$0x0], $0xffff  }
0xfe: {  	v32 =	vmul.f32 v6, v32;
	v35 =	vmul.f32 v7, v35;
	v29 =	vld.idx.msk [tilespmem:v29+s7+$0x0], $0xffff  }
0xff: {  	v31 =	vmul.f32 v8, v31;
	v33 =	vmul.f32 v9, v33;
	v26 =	vld.idx.msk [tilespmem:v26+s7+$0x0], $0xffff  }
0x100: {  	v34 =	vmul.f32 v10, v34;
	v36 =	vmul.f32 v12, v36;
	v12 =	vld.idx.msk [tilespmem:v21+s7+$0x0], $0xffff  }
0x101: {  	v16 =	vmul.f32 v16, v22;
	v21 =	vmul.f32 v11, v30;
	v11 =	vld [tilespmem:s0+$0x70];
	s0 =	sadd.s32 $0x100, s0  }
0x102: {  	v13 =	vmul.f32 v13, v23;
	v14 =	vmul.f32 v14, v24;
	v6 =	vld [tilespmem:s0+$0x0]  }
0x103: {  	v15 =	vmul.f32 v15, v25;
	v17 =	vmul.f32 v17, v27;
	v7 =	vld [tilespmem:s0+$0x10]  }
0x104: {  	v18 =	vmul.f32 v18, v28;
	v19 =	vmul.f32 v19, v29;
	v8 =	vld [tilespmem:s0+$0x20]  }
0x105: {  	v22 =	vadd.f32 v35, v32;
	v23 =	vadd.f32 v33, v31;
	v20 =	vmul.f32 v20, v26;
	v9 =	vld [tilespmem:s0+$0x30]  }
0x106: {  	v13 =	vadd.f32 v13, v16;
	v14 =	vadd.f32 v15, v14;
	v10 =	vld [tilespmem:s0+$0x40];
	v15 =	vmul.f32 v11, v12  }
0x107: {  	v17 =	vadd.f32 v18, v17;
	v18 =	vadd.f32 v20, v19;
	v12 =	vld [tilespmem:s0+$0x50]  }
0x108: {  	v19 =	vadd.f32 v36, v34;
	v11 =	vld [tilespmem:s0+$0x60];
	v15 =	vadd.f32 v15, v21  }
0x109: {  	v20 =	vadd.f32 v14, v13;
	v17 =	vadd.f32 v18, v17;
	v16 =	vld [tilespmem:s0+$0xFFFFFF80]  }
0x10a: {  	v18 =	vadd.f32 v23, v22;
	v13 =	vld [tilespmem:s0+$0xFFFFFF90];
	v19 =	vadd.f32 v15, v19  }
0x10b: {  	v20 =	vadd.f32 v17, v20;
	v14 =	vld [tilespmem:s0+$0xFFFFFFA0]  }
0x10c: {  	v15 =	vld [tilespmem:s0+$0xFFFFFFB0];
	v21 =	vadd.f32 v19, v18  }
0x10d: {  	v22 =	vperm.xlane v20, v0;
	v17 =	vld [tilespmem:s0+$0xFFFFFFC0]  }
0x10e: {  	v18 =	vld [tilespmem:s0+$0xFFFFFFD0];
	v23 =	vperm.xlane v21, v0  }
0x10f: {  	v22 =	vadd.f32 v20, v22;
	v19 =	vld [tilespmem:s0+$0xFFFFFFE0]  }
0x110: {  	s13 =	sadd.s32 $0x100, s13;
	v20 =	vld [tilespmem:s0+$0xFFFFFFF0];
	v21 =	vadd.f32 v21, v23  }
0x111: {  	v23 =	vperm.xlane v22, v1;
	v30 =	vld [tilespmem:s13+$0x0]  }
0x112: {  	v31 =	vld [tilespmem:s13+$0x10];
	v24 =	vperm.xlane v21, v1  }
0x113: {  	v22 =	vadd.f32 v22, v23;
	v33 =	vld [tilespmem:s13+$0x20]  }
0x114: {  	v34 =	vld [tilespmem:s13+$0x30];
	v23 =	vadd.f32 v21, v24  }
0x115: {  	v21 =	vperm.xlane v22, v2;
	v36 =	vld [tilespmem:s13+$0x40]  }
0x116: {  	v37 =	vld [tilespmem:s13+$0x50];
	v24 =	vperm.xlane v23, v2  }
0x117: {  	v25 =	vadd.f32 v22, v21;
	v38 =	vld [tilespmem:s13+$0x60]  }
0x118: {  	v21 =	vld [tilespmem:s13+$0x70];
	v26 =	vadd.f32 v23, v24  }
0x119: {  	v27 =	vperm.xlane v25, v3;
	v22 =	vld [tilespmem:s13+$0xFFFFFF80]  }
0x11a: {  	v23 =	vld [tilespmem:s13+$0xFFFFFF90];
	v28 =	vperm.xlane v26, v3  }
0x11b: {  	s14 =	sadd.s32 $0x1, s5;
	v29 =	vadd.f32 v25, v27;
	v27 =	vmov s5;
	s5 =	smov.u32 s1;
	v24 =	vld [tilespmem:s13+$0xFFFFFFA0]  }
0x11c: {  	vm0 =	veq.s32 v27, v4;
	v25 =	vld [tilespmem:s13+$0xFFFFFFB0];
	v26 =	vadd.f32 v26, v28;
	v28 =	vmov s14  }
0x11d: {  	v5 =	vsel vm0, v29, v5;
	v27 =	vld [tilespmem:s13+$0xFFFFFFC0];
	vm0 =	veq.s32 v28, v4  }
0x11e: {  	v28 =	vld [tilespmem:s13+$0xFFFFFFD0];
	v5 =	vsel vm0, v26, v5  }
0x11f: {  	v29 =	vld [tilespmem:s13+$0xFFFFFFE0]  }
0x120: {  	v26 =	vld [tilespmem:s13+$0xFFFFFFF0]  }
0x121: {  	v32 =	vld.idx.msk [tilespmem:v30+s7+$0x0], $0xffff  }
0x122: {  	v35 =	vld.idx.msk [tilespmem:v31+s7+$0x0], $0xffff  }
.Ltmp7:
0x123: {  	v31 =	vld.idx.msk [tilespmem:v33+s7+$0x0], $0xffff;
	(pc) =	sbr.rel @p0 .LBB2_9-.Ltmp7, $4  }
0x124: {  	v33 =	vld.idx.msk [tilespmem:v34+s7+$0x0], $0xffff  }
0x125: {  	v34 =	vld.idx.msk [tilespmem:v36+s7+$0x0], $0xffff  }
0x126: {  	v36 =	vld.idx.msk [tilespmem:v37+s7+$0x0], $0xffff  }
0x127: {  	s1 =	sadd.s32 $0x2, s1;
	v30 =	vld.idx.msk [tilespmem:v38+s7+$0x0], $0xffff  }
0x128: {  	_ =	sdelay $0x3  }
0x129: {  	v22 =	vld.idx.msk [tilespmem:v22+s7+$0x0], $0xffff  }
0x12a: {  	v23 =	vld.idx.msk [tilespmem:v23+s7+$0x0], $0xffff  }
0x12b: {  	v24 =	vld.idx.msk [tilespmem:v24+s7+$0x0], $0xffff  }
0x12c: {  	v25 =	vld.idx.msk [tilespmem:v25+s7+$0x0], $0xffff  }
0x12d: {  	v27 =	vld.idx.msk [tilespmem:v27+s7+$0x0], $0xffff  }
0x12e: {  	v28 =	vld.idx.msk [tilespmem:v28+s7+$0x0], $0xffff  }
0x12f: {  	v29 =	vld.idx.msk [tilespmem:v29+s7+$0x0], $0xffff;
	v6 =	vmul.f32 v6, v32  }
0x130: {  	v7 =	vmul.f32 v7, v35;
	v26 =	vld.idx.msk [tilespmem:v26+s7+$0x0], $0xffff;
	v8 =	vmul.f32 v8, v31  }
0x131: {  	v21 =	vld.idx.msk [tilespmem:v21+s7+$0x0], $0xffff;
	v9 =	vmul.f32 v9, v33;
	v10 =	vmul.f32 v10, v34  }
0x132: {  	v54 =	vld [tilespmem:s0+$0x70];
	v12 =	vmul.f32 v12, v36;
	v11 =	vmul.f32 v11, v30  }
0x133: {  	v16 =	vmul.f32 v16, v22;
	v13 =	vmul.f32 v13, v23  }
0x134: {  	v14 =	vmul.f32 v14, v24;
	v15 =	vmul.f32 v15, v25  }
0x135: {  	v6 =	vadd.f32 v7, v6;
	v17 =	vmul.f32 v17, v27;
	v18 =	vmul.f32 v18, v28  }
0x136: {  	v7 =	vadd.f32 v9, v8;
	v19 =	vmul.f32 v19, v29;
	v20 =	vmul.f32 v20, v26  }
0x137: {  	v57 =	vmul.f32 v54, v21;
	v55 =	vadd.f32 v13, v16;
	v56 =	vadd.f32 v15, v14  }
0x138: {  	v58 =	vadd.f32 v18, v17;
	v59 =	vadd.f32 v20, v19  }
0x139: {  	v10 =	vadd.f32 v12, v10;
	v11 =	vadd.f32 v57, v11  }
0x13a: {  	v8 =	vadd.f32 v56, v55;
	v60 =	vadd.f32 v59, v58  }
0x13b: {  	v6 =	vadd.f32 v7, v6;
	v7 =	vadd.f32 v11, v10  }
0x13c: {  	v8 =	vadd.f32 v60, v8  }
0x13d: {  	v6 =	vadd.f32 v7, v6  }
0x13e: {  	v7 =	vperm.xlane v8, v0  }
0x13f: {  	v61 =	vperm.xlane v6, v0  }
0x140: {  	v7 =	vadd.f32 v8, v7  }
0x141: {  	v6 =	vadd.f32 v6, v61  }
0x142: {  	v8 =	vperm.xlane v7, v1  }
0x143: {  	v9 =	vperm.xlane v6, v1  }
0x144: {  	v7 =	vadd.f32 v7, v8  }
0x145: {  	v6 =	vadd.f32 v6, v9  }
0x146: {  	v8 =	vperm.xlane v7, v2  }
0x147: {  	v9 =	vperm.xlane v6, v2  }
0x148: {  	v7 =	vadd.f32 v7, v8  }
0x149: {  	v6 =	vadd.f32 v6, v9  }
0x14a: {  	v8 =	vperm.xlane v7, v3  }
0x14b: {  	v9 =	vperm.xlane v6, v3  }
0x14c: {  	v62 =	vmov s5;
	s30 =	sadd.s32 $0x1, s5;
	v7 =	vadd.f32 v7, v8  }
0x14d: {  	vm0 =	veq.s32 v62, v4;
	v63 =	vmov s30;
	v6 =	vadd.f32 v6, v9  }
0x14e: {  	vm15 =	veq.s32 v63, v4;
	v5 =	vsel vm0, v7, v5  }
0x14f: {  	v5 =	vsel vm15, v6, v5  }
0x150: {  	v5 =	vsub.f32 $0.0e+00, v5;
	_ =	sdelay $0x1  }
0x151: {  	v5 =	vmul.f32 $1.442695020e+00, v5;
	_ =	sdelay $0x1  }
0x152: {  	(erf) = vpow2.f32 v5;
	_ =	sdelay $0x5  }
0x153: {  	s31 =	sshll.u32 s26, $0x4;
	s26 =	sadd.s32 $0x1, s26  }
0x154: {  	p0 =	sne.s32 s26, $0x3  }
.Ltmp8:
0x155: {  	_ = 	snop;
	(pc) =	sbr.rel @p0 .LBB2_8-.Ltmp8, $4  }
0x156: {  	v5 =	vpop (erf)  }
0x157: {  	v5 =	vsub.f32 $1.000000000e+00, v5  }
0x158: {  	s0 =	sand.u32 $0x3FFFFFF0, s31  }
0x159: {  	s28 =	sadd.s32 $0x800, s28;
	s29 =	sadd.s32 $0x800, s29;
	[tilespmem:s0+$0x1E780] =	vst v5  }
0x15a: {  	s0 =	smul.u32 $0x30, s25  }
.Ltmp9:
0x15b: {  	_ = 	snop;
	(pc) =	sbr.rel .LBB2_12-.Ltmp9, $4  }
0x15c: {  	s0 =	smin.u32 s0, $0x18670  }
0x15d: {  	s0 =	sshrl.u32 s0, $0x3  }
0x15e: {  	s0 =	sadd.s32 s6, s0  }
0x15f: {  	[hbm4b:s0+s7] =	stream.linear.scatter [tilespmem:s20], [sflag:$0x6], $0x30, $0x38;
	[tilespmem:$0x1E800] =	vst v63  }
.LBB2_14:
0x160: {  	_ =	sfence.sel $0x180000  }
0x161: {  	[bflag:$0x0] =	sbarrier.arrive $0xFFFF  }
0x162: {  	_ =	strace $0x90000047  }
0x163: {  	s0 =	stileid.u32;
	[bflag:$0x2] =	sbarrier.arrive $0xFFFF  }
0x164: {  	p0 =	sne.s32 s0, $0x0;
	s0 =	rddreg [dreg:$0x4]  }
0x165: {  	s0 =	sadd.s32 @!p0 $0x100000, s0  }
0x166: {  	[sflag:s0] =	ssyncadd.tile.s32 @!p0 $0x1;
	_ =	shalt  }
.Lfunc_end2:
_tile_overlayer_lowered:
.L_overlay_start_2:
0x167: {  	(tag) =	ssettag $0x2  }
0x168: {  	s0 =	rddreg [dreg:$0x0];
	s2 =	stileid.u32  }
0x169: {  	s1 =	rddreg [dreg:$0x1];
	p0 =	sne.s32 s2, $0x0  }
0x16a: {  	s3 =	rddreg [dreg:$0x2];
	[bflag:$0x3] =	sbarrier.arrive $0xFFFF;
	s2 =	simm.s32 @!p0 $0x1C07  }
0x16b: {  	[timem:s3], [sflag:s2] =	dma.local @!p0 [hbm:s0], s1  }
0x16c: {  	s0 =	simm.s32 @!p0 $0x7  }
0x16d: {  	_ =	swait.ge @!p0 [sflag:s0], s1  }
0x16e: {  	s1 =	ssub.s32 @!p0 $0x0, s1;
	[sflag:s0] =	ssyncset.done @!p0 $0x0  }
0x16f: {  	[sflag:s0] =	ssyncadd.s32 @!p0 s1  }
0x170: {  	[bflag:$0x3] =	sbarrier.arrive $0xFFFF  }
0x171: {  	_ =	shalt  }

</sc_bundles>
